<compile_context>
chip_gen: v7x
topology: tpu7x:2x2x1
jax: 0.10.2.dev20260603
libtpu: 0.0.44.dev20260713+nightly
codegen_flags: <defaults>
</compile_context>

<pallas_src>
import functools

import jax
import jax.numpy as jnp
from jax import lax
from jax.experimental import pallas as pl
from jax.experimental.pallas import tpu as pltpu
from jax.experimental.pallas import tpu_sc as plsc

N = 10000
NROW = 10240
E = 320000
NW = 32
EPW = E // NW
CHUNK = 80
NCHUNK = EPW // CHUNK
ROWS_PER_TILE = NROW // 16
NPAD = 10112


def _leaky(v):
    return jnp.where(v > 0, v, 0.2 * v)



def _tc_pre_body(x_ref, w_ref, as_ref, ad_ref,
                 table_ref, init_ref, asv_ref, adv_ref, asmax_ref):
    h = jnp.dot(x_ref[:], w_ref[:], preferred_element_type=jnp.float32)
    asv = (h * as_ref[:]).sum(-1, keepdims=True)
    adv = (h * ad_ref[:]).sum(-1, keepdims=True)
    asmax = jnp.max(asv)
    s_self = asv + adv
    cd_self = _leaky(asmax + adv)
    wself = jnp.exp(_leaky(s_self) - cd_self)
    hid = h.shape[1]
    width = table_ref.shape[1]
    ones = jnp.ones((h.shape[0], 1), jnp.float32)
    pad = jnp.zeros((h.shape[0], width - hid - 1), jnp.float32)
    table = jnp.concatenate([h, ones, pad], axis=1)
    rowpad = jnp.zeros((NROW - h.shape[0], width), jnp.float32)
    table_ref[:] = jnp.concatenate([table, rowpad], axis=0)
    init_ref[0] = jnp.concatenate([wself * table, rowpad], axis=0)
    init_ref[1] = jnp.zeros((NROW, width), jnp.float32)
    asv_ref[:] = asv
    adv_ref[:] = adv
    asmax_ref[:] = jnp.full((1, 1), asmax, jnp.float32)


def _tc_pre(h_in, W, a_s, a_d, width):
    n = h_in.shape[0]
    out_shape = (
        jax.ShapeDtypeStruct((NROW, width), jnp.float32),
        jax.ShapeDtypeStruct((2, NROW, width), jnp.float32),
        jax.ShapeDtypeStruct((n, 1), jnp.float32),
        jax.ShapeDtypeStruct((n, 1), jnp.float32),
        jax.ShapeDtypeStruct((1, 1), jnp.float32),
    )
    return pl.pallas_call(_tc_pre_body, out_shape=out_shape)(
        h_in, W, a_s.reshape(1, -1), a_d.reshape(1, -1))


def _tc_mid_body(acc_ref, b_ref, hid_s_ref, out_ref):
    hid = hid_s_ref.shape[1]
    n = out_ref.shape[0]
    a = acc_ref[0, :n] + acc_ref[1, :n]
    num = a[:, :hid]
    den = a[:, hid:hid + 1]
    out_ref[:] = jax.nn.relu(num / den + b_ref[:])


def _tc_mid(acc, b, hid):
    return pl.pallas_call(
        _tc_mid_body,
        out_shape=jax.ShapeDtypeStruct((N, hid), jnp.float32),
    )(acc, b.reshape(1, -1), jnp.zeros((1, hid), jnp.float32))


def _tc_post_body(acc_ref, b_ref, hid_s_ref, out_ref):
    hid = hid_s_ref.shape[1]
    n = out_ref.shape[0]
    a = acc_ref[0, :n] + acc_ref[1, :n]
    num = a[:, :hid]
    den = a[:, hid:hid + 1]
    out_ref[:] = num / den + b_ref[:]


def _tc_post(acc, b, hid):
    return pl.pallas_call(
        _tc_post_body,
        out_shape=jax.ShapeDtypeStruct((N, hid), jnp.float32),
    )(acc, b.reshape(1, -1), jnp.zeros((1, hid), jnp.float32))



def _make_sc(width):
    nb = width // 16
    mesh = plsc.VectorSubcoreMesh(core_axis_name="c", subcore_axis_name="s")

    @functools.partial(
        pl.kernel,
        out_type=jax.ShapeDtypeStruct((2, NROW, width), jnp.float32),
        mesh=mesh,
        compiler_params=pltpu.CompilerParams(
            needs_layout_passes=False, use_tc_tiling_on_sc=False),
        scratch_types=[
            pltpu.VMEM((NPAD,), jnp.float32),
            pltpu.VMEM((NPAD,), jnp.float32),
            pltpu.VMEM((CHUNK,), jnp.int32),
            pltpu.VMEM((CHUNK,), jnp.int32),
            pltpu.VMEM((CHUNK, width), jnp.float32),
            pltpu.VMEM((CHUNK,), jnp.float32),
            pltpu.VMEM_SHARED((NROW, width), jnp.float32),
            pltpu.SemaphoreType.DMA,
        ],
    )
    def sc_edge_pass(table_hbm, init_hbm, asv_hbm, adv_hbm, esrc_hbm,
                     edst_hbm, out_hbm, as_v, ad_v, src_v, dst_v, rows_v,
                     w_v, acc_sh, sem):
        c = lax.axis_index("c")
        s = lax.axis_index("s")
        wid = c * 16 + s
        r0 = s * ROWS_PER_TILE
        pltpu.sync_copy(init_hbm.at[c, pl.ds(r0, ROWS_PER_TILE)],
                        acc_sh.at[pl.ds(r0, ROWS_PER_TILE)])
        pltpu.sync_copy(asv_hbm, as_v)
        pltpu.sync_copy(adv_hbm, ad_v)
        plsc.subcore_barrier()

        base_e = wid * EPW

        def chunk_body(j, carry):
            e0 = base_e + j * CHUNK
            pltpu.sync_copy(esrc_hbm.at[pl.ds(e0, CHUNK)], src_v)
            pltpu.sync_copy(edst_hbm.at[pl.ds(e0, CHUNK)], dst_v)
            pltpu.async_copy(table_hbm.at[src_v], rows_v, sem).wait()
            cvec = as_v[pl.ds(N, 16)]
            for g in range(CHUNK // 16):
                sidx = src_v[pl.ds(g * 16, 16)]
                didx = dst_v[pl.ds(g * 16, 16)]
                sv = plsc.load_gather(as_v, [sidx])
                dv = plsc.load_gather(ad_v, [didx])
                w = jnp.exp(_leaky(sv + dv) - _leaky(cvec + dv))
                w_v[pl.ds(g * 16, 16)] = w

            def row_body(i, carry2):
                wi = plsc.load_gather(w_v, [jnp.full((16,), i, jnp.int32)])
                for r in range(nb):
                    rows_v[i, pl.ds(r * 16, 16)] = (
                        rows_v[i, pl.ds(r * 16, 16)] * wi)
                return carry2

            lax.fori_loop(0, CHUNK, row_body, 0)
            pltpu.sync_copy(rows_v, acc_sh.at[dst_v], add=True)
            return carry

        lax.fori_loop(0, NCHUNK, chunk_body, 0)
        plsc.subcore_barrier()
        pltpu.sync_copy(acc_sh.at[pl.ds(r0, ROWS_PER_TILE)],
                        out_hbm.at[c, pl.ds(r0, ROWS_PER_TILE)])

    return sc_edge_pass


_sc_pass_32 = _make_sc(32)
_sc_pass_48 = _make_sc(48)


def _pad_scores(asv, adv, asmax):
    a_s = jnp.concatenate(
        [asv[:, 0], jnp.full((16,), asmax[0, 0], jnp.float32),
         jnp.zeros((NPAD - N - 16,), jnp.float32)])
    a_d = jnp.concatenate([adv[:, 0], jnp.zeros((NPAD - N,), jnp.float32)])
    return a_s, a_d


def _gat_layer(h_in, edges, W, a_s, a_d, b, width, sc_pass, final):
    table, init, asv, adv, asmax = _tc_pre(h_in, W, a_s, a_d, width)
    asv_p, adv_p = _pad_scores(asv, adv, asmax)
    acc = sc_pass(table, init, asv_p, adv_p, edges[0], edges[1])
    hid = W.shape[1]
    if final:
        return _tc_post(acc, b, hid)
    return _tc_mid(acc, b, hid)


def kernel(x, edge_index, W1, a_s1, a_d1, b1, W2, a_s2, a_d2, b2):
    edges = edge_index.astype(jnp.int32)
    h1 = _gat_layer(x, edges, W1, a_s1, a_d1, b1, 32, _sc_pass_32,
                    final=False)
    out = _gat_layer(h1, edges, W2, a_s2, a_d2, b2, 48, _sc_pass_48,
                     final=True)
    return out

# --- scband reference (transcript-rebuilt; emitter-appended) ---
"""Pipeline reference for scband-gat-58394375356708 (READ-ONLY COPY).

The authoritative reference and input builder live on the scoring server;
editing this copy changes nothing except your own understanding.
"""

import jax, jax.numpy as jnp
import numpy as np

N = 10000
E = 320000
D_IN = 128
HID = 16
N_CLS = 40


def gat_conv(x, edge_index, W, att_src, att_dst, bias):
    # PyG GATConv with heads=1, concat=True, negative_slope=0.2, add_self_loops=True
    n = x.shape[0]
    loop = jnp.arange(n, dtype=edge_index.dtype)
    src = jnp.concatenate([edge_index[0], loop])
    dst = jnp.concatenate([edge_index[1], loop])
    h = x @ W  # [n, out]
    a_s = (h * att_src).sum(-1)  # [n]
    a_d = (h * att_dst).sum(-1)  # [n]
    e = a_s[src] + a_d[dst]
    e = jnp.where(e > 0, e, 0.2 * e)  # leaky_relu
    m = jax.ops.segment_max(e, dst, num_segments=n)
    ex = jnp.exp(e - m[dst])
    denom = jax.ops.segment_sum(ex, dst, num_segments=n)
    alpha = ex / (denom[dst] + 1e-16)
    out = jax.ops.segment_sum(alpha[:, None] * h[src], dst, num_segments=n)
    return out + bias


def setup_inputs(seed: int = 0) -> dict:
    key = jax.random.key(seed)
    ks = jax.random.split(key, 12)
    x = jax.random.normal(ks[0], (N, D_IN), dtype=jnp.float32)
    edge_index = jax.random.randint(ks[1], (2, E), 0, N, dtype=jnp.int64)
    g1 = float(np.sqrt(6.0 / (D_IN + HID)))
    g2 = float(np.sqrt(6.0 / (HID + N_CLS)))
    W1 = jax.random.uniform(ks[2], (D_IN, HID), minval=-g1, maxval=g1, dtype=jnp.float32)
    a_s1 = jax.random.uniform(ks[3], (HID,), minval=-1.0, maxval=1.0, dtype=jnp.float32) * 0.5
    a_d1 = jax.random.uniform(ks[4], (HID,), minval=-1.0, maxval=1.0, dtype=jnp.float32) * 0.5
    b1 = jnp.zeros((HID,), dtype=jnp.float32)
    W2 = jax.random.uniform(ks[5], (HID, N_CLS), minval=-g2, maxval=g2, dtype=jnp.float32)
    a_s2 = jax.random.uniform(ks[6], (N_CLS,), minval=-1.0, maxval=1.0, dtype=jnp.float32) * 0.5
    a_d2 = jax.random.uniform(ks[7], (N_CLS,), minval=-1.0, maxval=1.0, dtype=jnp.float32) * 0.5
    b2 = jnp.zeros((N_CLS,), dtype=jnp.float32)
    return {"x": x, "edge_index": edge_index, "W1": W1, "a_s1": a_s1, "a_d1": a_d1, "b1": b1, "W2": W2, "a_s2": a_s2, "a_d2": a_d2, "b2": b2}


def reference(x, edge_index, W1, a_s1, a_d1, b1, W2, a_s2, a_d2, b2):
    h = gat_conv(x, edge_index, W1, a_s1, a_d1, b1)
    h = jax.nn.relu(h)
    # F.dropout with training=False is identity (eval mode)
    out = gat_conv(h, edge_index, W2, a_s2, a_d2, b2)
    return out

if __name__ == "__main__":
    import jax
    _d = setup_inputs()
    print(jax.jit(kernel)(*tuple(_d.values())))

</pallas_src>

<mosaic_0001>
#map = affine_map<(d0, d1) -> (0, 0)>
#map1 = affine_map<(d0, d1) -> (0, 0, 0)>
#map2 = affine_map<(d0, d1) -> (0)>
module attributes {stable_mosaic.version = 14 : i64} {
  func.func @sc_edge_pass(%arg0: i32, %arg1: i32, %arg2: memref<10240x32xf32, #tpu.memory_space<hbm>>, %arg3: memref<2x10240x32xf32, #tpu.memory_space<hbm>>, %arg4: memref<10112xf32, #tpu.memory_space<hbm>>, %arg5: memref<10112xf32, #tpu.memory_space<hbm>>, %arg6: memref<320000xi32, #tpu.memory_space<hbm>>, %arg7: memref<320000xi32, #tpu.memory_space<hbm>>, %arg8: memref<2x10240x32xf32, #tpu.memory_space<hbm>>, %arg9: memref<10112xf32, #tpu.memory_space<vmem>>, %arg10: memref<10112xf32, #tpu.memory_space<vmem>>, %arg11: memref<80xi32, #tpu.memory_space<vmem>>, %arg12: memref<80xi32, #tpu.memory_space<vmem>>, %arg13: memref<80x32xf32, #tpu.memory_space<vmem>>, %arg14: memref<80xf32, #tpu.memory_space<vmem>>, %arg15: memref<10240x32xf32, #tpu.memory_space<vmem_shared>>, %arg16: memref<!tpu.dma_semaphore, #tpu.memory_space<semaphore_mem>>) attributes {dimension_semantics = [#tpu.dimension_semantics<core_parallel>, #tpu.dimension_semantics<subcore_parallel>], iteration_bounds = array<i64: 2, 16>, scalar_prefetch = 0 : i64, scratch_operands = 8 : i64, tpu.core_type = #tpu.core_type<sc_vector_subcore>, window_params = [{transform_indices = #map}, {transform_indices = #map1}, {transform_indices = #map2}, {transform_indices = #map2}, {transform_indices = #map2}, {transform_indices = #map2}, {transform_indices = #map1}]} {
    %mul3A = arith.constant 16 : i32
    %mul3A_0 = arith.muli %arg0, %mul3A : i32
    %add3A = arith.addi %mul3A_0, %arg1 : i32
    %mul3A_1 = arith.constant 640 : i32
    %mul3A_2 = arith.muli %arg1, %mul3A_1 : i32
    "tpu.region"() ({
      %run_scoped3A = tpu.sem_alloc : memref<!tpu.dma_semaphore, #tpu.memory_space<semaphore_mem>>
      %dma_start3A = arith.constant 0 : i32
      %dma_start3A_11 = tpu.memref_slice %arg15[%mul3A_2, %dma_start3A] : memref<10240x32xf32, #tpu.memory_space<vmem_shared>> -> memref<640x32xf32, #tpu.memory_space<vmem_shared>>
      %dma_start3A_12 = arith.constant 0 : i32
      %dma_start3A_13 = tpu.memref_slice %arg3[%arg0, %mul3A_2, %dma_start3A_12] : memref<2x10240x32xf32, #tpu.memory_space<hbm>> -> memref<1x640x32xf32, #tpu.memory_space<hbm>>
      %dma_start3A_14 = tpu.memref_squeeze %dma_start3A_13 : memref<1x640x32xf32, #tpu.memory_space<hbm>> -> memref<640x32xf32, #tpu.memory_space<hbm>>
      tpu.enqueue_dma source(%dma_start3A_14 : memref<640x32xf32, #tpu.memory_space<hbm>>) target(%dma_start3A_11 : memref<640x32xf32, #tpu.memory_space<vmem_shared>>) target_semaphore(%run_scoped3A : memref<!tpu.dma_semaphore, #tpu.memory_space<semaphore_mem>>)
      %dma_wait3A = arith.constant 0 : i32
      %dma_wait3A_15 = tpu.memref_slice %arg15[%mul3A_2, %dma_wait3A] : memref<10240x32xf32, #tpu.memory_space<vmem_shared>> -> memref<640x32xf32, #tpu.memory_space<vmem_shared>>
      %dma_wait3A_16 = arith.constant 0 : i32
      %dma_wait3A_17 = tpu.memref_slice %arg3[%arg0, %mul3A_2, %dma_wait3A_16] : memref<2x10240x32xf32, #tpu.memory_space<hbm>> -> memref<1x640x32xf32, #tpu.memory_space<hbm>>
      %dma_wait3A_18 = tpu.memref_squeeze %dma_wait3A_17 : memref<1x640x32xf32, #tpu.memory_space<hbm>> -> memref<640x32xf32, #tpu.memory_space<hbm>>
      tpu.wait_dma2 semaphore(%run_scoped3A : memref<!tpu.dma_semaphore, #tpu.memory_space<semaphore_mem>>) src(%dma_wait3A_18 : memref<640x32xf32, #tpu.memory_space<hbm>>) dst(%dma_wait3A_15 : memref<640x32xf32, #tpu.memory_space<vmem_shared>>)
      tpu.yield
    }) : () -> ()
    "tpu.region"() ({
      %run_scoped3A = tpu.sem_alloc : memref<!tpu.dma_semaphore, #tpu.memory_space<semaphore_mem>>
      tpu.enqueue_dma source(%arg4 : memref<10112xf32, #tpu.memory_space<hbm>>) target(%arg9 : memref<10112xf32, #tpu.memory_space<vmem>>) target_semaphore(%run_scoped3A : memref<!tpu.dma_semaphore, #tpu.memory_space<semaphore_mem>>)
      tpu.wait_dma2 semaphore(%run_scoped3A : memref<!tpu.dma_semaphore, #tpu.memory_space<semaphore_mem>>) src(%arg4 : memref<10112xf32, #tpu.memory_space<hbm>>) dst(%arg9 : memref<10112xf32, #tpu.memory_space<vmem>>)
      tpu.yield
    }) : () -> ()
    "tpu.region"() ({
      %run_scoped3A = tpu.sem_alloc : memref<!tpu.dma_semaphore, #tpu.memory_space<semaphore_mem>>
      tpu.enqueue_dma source(%arg5 : memref<10112xf32, #tpu.memory_space<hbm>>) target(%arg10 : memref<10112xf32, #tpu.memory_space<vmem>>) target_semaphore(%run_scoped3A : memref<!tpu.dma_semaphore, #tpu.memory_space<semaphore_mem>>)
      tpu.wait_dma2 semaphore(%run_scoped3A : memref<!tpu.dma_semaphore, #tpu.memory_space<semaphore_mem>>) src(%arg5 : memref<10112xf32, #tpu.memory_space<hbm>>) dst(%arg10 : memref<10112xf32, #tpu.memory_space<vmem>>)
      tpu.yield
    }) : () -> ()
    %barrier3A = arith.constant 0 : index
    tpu.barrier barrier_id(%barrier3A)
    %mul3A_3 = arith.constant 10000 : i32
    %mul3A_4 = arith.muli %add3A, %mul3A_3 : i32
    %scan3A = arith.constant 0 : i32
    %scan3A_5 = arith.constant 0 : i32
    %scan3A_6 = arith.constant 125 : i32
    %scan3A_7 = arith.addi %scan3A_5, %scan3A_6 : i32
    %scan3A_8 = arith.constant 1 : i32
    scf.for %scan3A_11 = %scan3A_5 to %scan3A_7 step %scan3A_8  : i32 {
      %mul3A_12 = arith.constant 80 : i32
      %mul3A_13 = arith.muli %scan3A_11, %mul3A_12 : i32
      %add3A_14 = arith.addi %mul3A_4, %mul3A_13 : i32
      "tpu.region"() ({
        %run_scoped3A = tpu.sem_alloc : memref<!tpu.dma_semaphore, #tpu.memory_space<semaphore_mem>>
        %dma_start3A_150 = tpu.memref_slice %arg6[%add3A_14] : memref<320000xi32, #tpu.memory_space<hbm>> -> memref<80xi32, #tpu.memory_space<hbm>>
        %dma_start3A_151 = tpu.memref_slice %arg6[%add3A_14] : memref<320000xi32, #tpu.memory_space<hbm>> -> memref<80xi32, #tpu.memory_space<hbm>>
        tpu.enqueue_dma source(%dma_start3A_151 : memref<80xi32, #tpu.memory_space<hbm>>) target(%arg11 : memref<80xi32, #tpu.memory_space<vmem>>) target_semaphore(%run_scoped3A : memref<!tpu.dma_semaphore, #tpu.memory_space<semaphore_mem>>)
        %dma_wait3A_152 = tpu.memref_slice %arg6[%add3A_14] : memref<320000xi32, #tpu.memory_space<hbm>> -> memref<80xi32, #tpu.memory_space<hbm>>
        %dma_wait3A_153 = tpu.memref_slice %arg6[%add3A_14] : memref<320000xi32, #tpu.memory_space<hbm>> -> memref<80xi32, #tpu.memory_space<hbm>>
        tpu.wait_dma2 semaphore(%run_scoped3A : memref<!tpu.dma_semaphore, #tpu.memory_space<semaphore_mem>>) src(%dma_wait3A_153 : memref<80xi32, #tpu.memory_space<hbm>>) dst(%arg11 : memref<80xi32, #tpu.memory_space<vmem>>)
        tpu.yield
      }) : () -> ()
      "tpu.region"() ({
        %run_scoped3A = tpu.sem_alloc : memref<!tpu.dma_semaphore, #tpu.memory_space<semaphore_mem>>
        %dma_start3A_150 = tpu.memref_slice %arg7[%add3A_14] : memref<320000xi32, #tpu.memory_space<hbm>> -> memref<80xi32, #tpu.memory_space<hbm>>
        %dma_start3A_151 = tpu.memref_slice %arg7[%add3A_14] : memref<320000xi32, #tpu.memory_space<hbm>> -> memref<80xi32, #tpu.memory_space<hbm>>
        tpu.enqueue_dma source(%dma_start3A_151 : memref<80xi32, #tpu.memory_space<hbm>>) target(%arg12 : memref<80xi32, #tpu.memory_space<vmem>>) target_semaphore(%run_scoped3A : memref<!tpu.dma_semaphore, #tpu.memory_space<semaphore_mem>>)
        %dma_wait3A_152 = tpu.memref_slice %arg7[%add3A_14] : memref<320000xi32, #tpu.memory_space<hbm>> -> memref<80xi32, #tpu.memory_space<hbm>>
        %dma_wait3A_153 = tpu.memref_slice %arg7[%add3A_14] : memref<320000xi32, #tpu.memory_space<hbm>> -> memref<80xi32, #tpu.memory_space<hbm>>
        tpu.wait_dma2 semaphore(%run_scoped3A : memref<!tpu.dma_semaphore, #tpu.memory_space<semaphore_mem>>) src(%dma_wait3A_153 : memref<80xi32, #tpu.memory_space<hbm>>) dst(%arg12 : memref<80xi32, #tpu.memory_space<vmem>>)
        tpu.yield
      }) : () -> ()
      %dma_start3A = arith.constant 0 : i32
      %dma_start3A_15 = arith.constant 0 : i32
      %dma_start3A_16 = tpu.memref_slice %arg2[%dma_start3A, %dma_start3A_15] : memref<10240x32xf32, #tpu.memory_space<hbm>> -> memref<10240x32xf32, #tpu.memory_space<hbm>>
      tpu.enqueue_indirect_dma source(%dma_start3A_16 : memref<10240x32xf32, #tpu.memory_space<hbm>>) target(%arg13 : memref<80x32xf32, #tpu.memory_space<vmem>>) offsets(%arg11 : memref<80xi32, #tpu.memory_space<vmem>>) semaphore(%arg16 : memref<!tpu.dma_semaphore, #tpu.memory_space<semaphore_mem>>)
      %dma_wait3A = arith.constant 0 : i32
      %dma_wait3A_17 = arith.constant 0 : i32
      %dma_wait3A_18 = tpu.memref_slice %arg2[%dma_wait3A, %dma_wait3A_17] : memref<10240x32xf32, #tpu.memory_space<hbm>> -> memref<10240x32xf32, #tpu.memory_space<hbm>>
      tpu.wait_indirect_dma semaphore(%arg16 : memref<!tpu.dma_semaphore, #tpu.memory_space<semaphore_mem>>) src(%dma_wait3A_18 : memref<10240x32xf32, #tpu.memory_space<hbm>>) dst(%arg13 : memref<80x32xf32, #tpu.memory_space<vmem>>)
      %get3A = arith.constant 10000 : index
      %get3A_19 = tpu.vector_load %arg9[%get3A] {strides = array<i32>} : memref<10112xf32, #tpu.memory_space<vmem>>, vector<16xf32>,
      %get3A_20 = arith.constant 0 : index
      %get3A_21 = tpu.vector_load %arg11[%get3A_20] {strides = array<i32>} : memref<80xi32, #tpu.memory_space<vmem>>, vector<16xi32>,
      %get3A_22 = arith.constant 0 : index
      %get3A_23 = tpu.vector_load %arg12[%get3A_22] {strides = array<i32>} : memref<80xi32, #tpu.memory_space<vmem>>, vector<16xi32>,
      %gather3A = tpu.vector_load_idx %arg9[%get3A_21] : memref<10112xf32, #tpu.memory_space<vmem>>[vector<16xi32>], vector<16xf32>,
      %gather3A_24 = tpu.vector_load_idx %arg10[%get3A_23] : memref<10112xf32, #tpu.memory_space<vmem>>[vector<16xi32>], vector<16xf32>,
      %add3A_25 = arith.addf %gather3A, %gather3A_24 : vector<16xf32>
      %gt3A = arith.constant 0.000000e+00 : f32
      %gt3A_26 = vector.broadcast %gt3A : f32 to vector<16xf32>
      %gt3A_27 = arith.cmpf ogt, %add3A_25, %gt3A_26 : vector<16xf32>
      %mul3A_28 = arith.constant 2.000000e-01 : f32
      %mul3A_29 = vector.broadcast %mul3A_28 : f32 to vector<16xf32>
      %mul3A_30 = arith.mulf %mul3A_29, %add3A_25 : vector<16xf32>
      %select_n3A = arith.select %gt3A_27, %add3A_25, %mul3A_30 : vector<16xi1>, vector<16xf32>
      %add3A_31 = arith.addf %get3A_19, %gather3A_24 : vector<16xf32>
      %gt3A_32 = arith.constant 0.000000e+00 : f32
      %gt3A_33 = vector.broadcast %gt3A_32 : f32 to vector<16xf32>
      %gt3A_34 = arith.cmpf ogt, %add3A_31, %gt3A_33 : vector<16xf32>
      %mul3A_35 = arith.constant 2.000000e-01 : f32
      %mul3A_36 = vector.broadcast %mul3A_35 : f32 to vector<16xf32>
      %mul3A_37 = arith.mulf %mul3A_36, %add3A_31 : vector<16xf32>
      %select_n3A_38 = arith.select %gt3A_34, %add3A_31, %mul3A_37 : vector<16xi1>, vector<16xf32>
      %sub3A = arith.subf %select_n3A, %select_n3A_38 : vector<16xf32>
      %exp3A = math.exp %sub3A : vector<16xf32>
      %swap3A = arith.constant 0 : index
      %swap3A_39 = tpu.vector_load %arg14[%swap3A] {strides = array<i32>} : memref<80xf32, #tpu.memory_space<vmem>>, vector<16xf32>,
      tpu.vector_store %arg14[%swap3A], %exp3A {strides = array<i32>} : memref<80xf32, #tpu.memory_space<vmem>>, vector<16xf32>,
      %get3A_40 = arith.constant 16 : index
      %get3A_41 = tpu.vector_load %arg11[%get3A_40] {strides = array<i32>} : memref<80xi32, #tpu.memory_space<vmem>>, vector<16xi32>,
      %get3A_42 = arith.constant 16 : index
      %get3A_43 = tpu.vector_load %arg12[%get3A_42] {strides = array<i32>} : memref<80xi32, #tpu.memory_space<vmem>>, vector<16xi32>,
      %gather3A_44 = tpu.vector_load_idx %arg9[%get3A_41] : memref<10112xf32, #tpu.memory_space<vmem>>[vector<16xi32>], vector<16xf32>,
      %gather3A_45 = tpu.vector_load_idx %arg10[%get3A_43] : memref<10112xf32, #tpu.memory_space<vmem>>[vector<16xi32>], vector<16xf32>,
      %add3A_46 = arith.addf %gather3A_44, %gather3A_45 : vector<16xf32>
      %gt3A_47 = arith.constant 0.000000e+00 : f32
      %gt3A_48 = vector.broadcast %gt3A_47 : f32 to vector<16xf32>
      %gt3A_49 = arith.cmpf ogt, %add3A_46, %gt3A_48 : vector<16xf32>
      %mul3A_50 = arith.constant 2.000000e-01 : f32
      %mul3A_51 = vector.broadcast %mul3A_50 : f32 to vector<16xf32>
      %mul3A_52 = arith.mulf %mul3A_51, %add3A_46 : vector<16xf32>
      %select_n3A_53 = arith.select %gt3A_49, %add3A_46, %mul3A_52 : vector<16xi1>, vector<16xf32>
      %add3A_54 = arith.addf %get3A_19, %gather3A_45 : vector<16xf32>
      %gt3A_55 = arith.constant 0.000000e+00 : f32
      %gt3A_56 = vector.broadcast %gt3A_55 : f32 to vector<16xf32>
      %gt3A_57 = arith.cmpf ogt, %add3A_54, %gt3A_56 : vector<16xf32>
      %mul3A_58 = arith.constant 2.000000e-01 : f32
      %mul3A_59 = vector.broadcast %mul3A_58 : f32 to vector<16xf32>
      %mul3A_60 = arith.mulf %mul3A_59, %add3A_54 : vector<16xf32>
      %select_n3A_61 = arith.select %gt3A_57, %add3A_54, %mul3A_60 : vector<16xi1>, vector<16xf32>
      %sub3A_62 = arith.subf %select_n3A_53, %select_n3A_61 : vector<16xf32>
      %exp3A_63 = math.exp %sub3A_62 : vector<16xf32>
      %swap3A_64 = arith.constant 16 : index
      %swap3A_65 = tpu.vector_load %arg14[%swap3A_64] {strides = array<i32>} : memref<80xf32, #tpu.memory_space<vmem>>, vector<16xf32>,
      tpu.vector_store %arg14[%swap3A_64], %exp3A_63 {strides = array<i32>} : memref<80xf32, #tpu.memory_space<vmem>>, vector<16xf32>,
      %get3A_66 = arith.constant 32 : index
      %get3A_67 = tpu.vector_load %arg11[%get3A_66] {strides = array<i32>} : memref<80xi32, #tpu.memory_space<vmem>>, vector<16xi32>,
      %get3A_68 = arith.constant 32 : index
      %get3A_69 = tpu.vector_load %arg12[%get3A_68] {strides = array<i32>} : memref<80xi32, #tpu.memory_space<vmem>>, vector<16xi32>,
      %gather3A_70 = tpu.vector_load_idx %arg9[%get3A_67] : memref<10112xf32, #tpu.memory_space<vmem>>[vector<16xi32>], vector<16xf32>,
      %gather3A_71 = tpu.vector_load_idx %arg10[%get3A_69] : memref<10112xf32, #tpu.memory_space<vmem>>[vector<16xi32>], vector<16xf32>,
      %add3A_72 = arith.addf %gather3A_70, %gather3A_71 : vector<16xf32>
      %gt3A_73 = arith.constant 0.000000e+00 : f32
      %gt3A_74 = vector.broadcast %gt3A_73 : f32 to vector<16xf32>
      %gt3A_75 = arith.cmpf ogt, %add3A_72, %gt3A_74 : vector<16xf32>
      %mul3A_76 = arith.constant 2.000000e-01 : f32
      %mul3A_77 = vector.broadcast %mul3A_76 : f32 to vector<16xf32>
      %mul3A_78 = arith.mulf %mul3A_77, %add3A_72 : vector<16xf32>
      %select_n3A_79 = arith.select %gt3A_75, %add3A_72, %mul3A_78 : vector<16xi1>, vector<16xf32>
      %add3A_80 = arith.addf %get3A_19, %gather3A_71 : vector<16xf32>
      %gt3A_81 = arith.constant 0.000000e+00 : f32
      %gt3A_82 = vector.broadcast %gt3A_81 : f32 to vector<16xf32>
      %gt3A_83 = arith.cmpf ogt, %add3A_80, %gt3A_82 : vector<16xf32>
      %mul3A_84 = arith.constant 2.000000e-01 : f32
      %mul3A_85 = vector.broadcast %mul3A_84 : f32 to vector<16xf32>
      %mul3A_86 = arith.mulf %mul3A_85, %add3A_80 : vector<16xf32>
      %select_n3A_87 = arith.select %gt3A_83, %add3A_80, %mul3A_86 : vector<16xi1>, vector<16xf32>
      %sub3A_88 = arith.subf %select_n3A_79, %select_n3A_87 : vector<16xf32>
      %exp3A_89 = math.exp %sub3A_88 : vector<16xf32>
      %swap3A_90 = arith.constant 32 : index
      %swap3A_91 = tpu.vector_load %arg14[%swap3A_90] {strides = array<i32>} : memref<80xf32, #tpu.memory_space<vmem>>, vector<16xf32>,
      tpu.vector_store %arg14[%swap3A_90], %exp3A_89 {strides = array<i32>} : memref<80xf32, #tpu.memory_space<vmem>>, vector<16xf32>,
      %get3A_92 = arith.constant 48 : index
      %get3A_93 = tpu.vector_load %arg11[%get3A_92] {strides = array<i32>} : memref<80xi32, #tpu.memory_space<vmem>>, vector<16xi32>,
      %get3A_94 = arith.constant 48 : index
      %get3A_95 = tpu.vector_load %arg12[%get3A_94] {strides = array<i32>} : memref<80xi32, #tpu.memory_space<vmem>>, vector<16xi32>,
      %gather3A_96 = tpu.vector_load_idx %arg9[%get3A_93] : memref<10112xf32, #tpu.memory_space<vmem>>[vector<16xi32>], vector<16xf32>,
      %gather3A_97 = tpu.vector_load_idx %arg10[%get3A_95] : memref<10112xf32, #tpu.memory_space<vmem>>[vector<16xi32>], vector<16xf32>,
      %add3A_98 = arith.addf %gather3A_96, %gather3A_97 : vector<16xf32>
      %gt3A_99 = arith.constant 0.000000e+00 : f32
      %gt3A_100 = vector.broadcast %gt3A_99 : f32 to vector<16xf32>
      %gt3A_101 = arith.cmpf ogt, %add3A_98, %gt3A_100 : vector<16xf32>
      %mul3A_102 = arith.constant 2.000000e-01 : f32
      %mul3A_103 = vector.broadcast %mul3A_102 : f32 to vector<16xf32>
      %mul3A_104 = arith.mulf %mul3A_103, %add3A_98 : vector<16xf32>
      %select_n3A_105 = arith.select %gt3A_101, %add3A_98, %mul3A_104 : vector<16xi1>, vector<16xf32>
      %add3A_106 = arith.addf %get3A_19, %gather3A_97 : vector<16xf32>
      %gt3A_107 = arith.constant 0.000000e+00 : f32
      %gt3A_108 = vector.broadcast %gt3A_107 : f32 to vector<16xf32>
      %gt3A_109 = arith.cmpf ogt, %add3A_106, %gt3A_108 : vector<16xf32>
      %mul3A_110 = arith.constant 2.000000e-01 : f32
      %mul3A_111 = vector.broadcast %mul3A_110 : f32 to vector<16xf32>
      %mul3A_112 = arith.mulf %mul3A_111, %add3A_106 : vector<16xf32>
      %select_n3A_113 = arith.select %gt3A_109, %add3A_106, %mul3A_112 : vector<16xi1>, vector<16xf32>
      %sub3A_114 = arith.subf %select_n3A_105, %select_n3A_113 : vector<16xf32>
      %exp3A_115 = math.exp %sub3A_114 : vector<16xf32>
      %swap3A_116 = arith.constant 48 : index
      %swap3A_117 = tpu.vector_load %arg14[%swap3A_116] {strides = array<i32>} : memref<80xf32, #tpu.memory_space<vmem>>, vector<16xf32>,
      tpu.vector_store %arg14[%swap3A_116], %exp3A_115 {strides = array<i32>} : memref<80xf32, #tpu.memory_space<vmem>>, vector<16xf32>,
      %get3A_118 = arith.constant 64 : index
      %get3A_119 = tpu.vector_load %arg11[%get3A_118] {strides = array<i32>} : memref<80xi32, #tpu.memory_space<vmem>>, vector<16xi32>,
      %get3A_120 = arith.constant 64 : index
      %get3A_121 = tpu.vector_load %arg12[%get3A_120] {strides = array<i32>} : memref<80xi32, #tpu.memory_space<vmem>>, vector<16xi32>,
      %gather3A_122 = tpu.vector_load_idx %arg9[%get3A_119] : memref<10112xf32, #tpu.memory_space<vmem>>[vector<16xi32>], vector<16xf32>,
      %gather3A_123 = tpu.vector_load_idx %arg10[%get3A_121] : memref<10112xf32, #tpu.memory_space<vmem>>[vector<16xi32>], vector<16xf32>,
      %add3A_124 = arith.addf %gather3A_122, %gather3A_123 : vector<16xf32>
      %gt3A_125 = arith.constant 0.000000e+00 : f32
      %gt3A_126 = vector.broadcast %gt3A_125 : f32 to vector<16xf32>
      %gt3A_127 = arith.cmpf ogt, %add3A_124, %gt3A_126 : vector<16xf32>
      %mul3A_128 = arith.constant 2.000000e-01 : f32
      %mul3A_129 = vector.broadcast %mul3A_128 : f32 to vector<16xf32>
      %mul3A_130 = arith.mulf %mul3A_129, %add3A_124 : vector<16xf32>
      %select_n3A_131 = arith.select %gt3A_127, %add3A_124, %mul3A_130 : vector<16xi1>, vector<16xf32>
      %add3A_132 = arith.addf %get3A_19, %gather3A_123 : vector<16xf32>
      %gt3A_133 = arith.constant 0.000000e+00 : f32
      %gt3A_134 = vector.broadcast %gt3A_133 : f32 to vector<16xf32>
      %gt3A_135 = arith.cmpf ogt, %add3A_132, %gt3A_134 : vector<16xf32>
      %mul3A_136 = arith.constant 2.000000e-01 : f32
      %mul3A_137 = vector.broadcast %mul3A_136 : f32 to vector<16xf32>
      %mul3A_138 = arith.mulf %mul3A_137, %add3A_132 : vector<16xf32>
      %select_n3A_139 = arith.select %gt3A_135, %add3A_132, %mul3A_138 : vector<16xi1>, vector<16xf32>
      %sub3A_140 = arith.subf %select_n3A_131, %select_n3A_139 : vector<16xf32>
      %exp3A_141 = math.exp %sub3A_140 : vector<16xf32>
      %swap3A_142 = arith.constant 64 : index
      %swap3A_143 = tpu.vector_load %arg14[%swap3A_142] {strides = array<i32>} : memref<80xf32, #tpu.memory_space<vmem>>, vector<16xf32>,
      tpu.vector_store %arg14[%swap3A_142], %exp3A_141 {strides = array<i32>} : memref<80xf32, #tpu.memory_space<vmem>>, vector<16xf32>,
      %scan3A_144 = arith.constant 0 : i32
      %scan3A_145 = arith.constant 0 : i32
      %scan3A_146 = arith.constant 80 : i32
      %scan3A_147 = arith.addi %scan3A_145, %scan3A_146 : i32
      %scan3A_148 = arith.constant 1 : i32
      scf.for %scan3A_150 = %scan3A_145 to %scan3A_147 step %scan3A_148  : i32 {
        %broadcast_in_dim3A = vector.broadcast %scan3A_150 : i32 to vector<16xi32>
        %gather3A_151 = tpu.vector_load_idx %arg14[%broadcast_in_dim3A] : memref<80xf32, #tpu.memory_space<vmem>>[vector<16xi32>], vector<16xf32>,
        %get3A_152 = arith.index_cast %scan3A_150 : i32 to index
        %get3A_153 = arith.constant 0 : index
        %get3A_154 = tpu.vector_load %arg13[%get3A_152, %get3A_153] {strides = array<i32>} : memref<80x32xf32, #tpu.memory_space<vmem>>, vector<16xf32>,
        %mul3A_155 = arith.mulf %get3A_154, %gather3A_151 : vector<16xf32>
        %swap3A_156 = arith.index_cast %scan3A_150 : i32 to index
        %swap3A_157 = arith.constant 0 : index
        %swap3A_158 = tpu.vector_load %arg13[%swap3A_156, %swap3A_157] {strides = array<i32>} : memref<80x32xf32, #tpu.memory_space<vmem>>, vector<16xf32>,
        tpu.vector_store %arg13[%swap3A_156, %swap3A_157], %mul3A_155 {strides = array<i32>} : memref<80x32xf32, #tpu.memory_space<vmem>>, vector<16xf32>,
        %get3A_159 = arith.index_cast %scan3A_150 : i32 to index
        %get3A_160 = arith.constant 16 : index
        %get3A_161 = tpu.vector_load %arg13[%get3A_159, %get3A_160] {strides = array<i32>} : memref<80x32xf32, #tpu.memory_space<vmem>>, vector<16xf32>,
        %mul3A_162 = arith.mulf %get3A_161, %gather3A_151 : vector<16xf32>
        %swap3A_163 = arith.index_cast %scan3A_150 : i32 to index
        %swap3A_164 = arith.constant 16 : index
        %swap3A_165 = tpu.vector_load %arg13[%swap3A_163, %swap3A_164] {strides = array<i32>} : memref<80x32xf32, #tpu.memory_space<vmem>>, vector<16xf32>,
        tpu.vector_store %arg13[%swap3A_163, %swap3A_164], %mul3A_162 {strides = array<i32>} : memref<80x32xf32, #tpu.memory_space<vmem>>, vector<16xf32>,
      }
      %scan3A_149 = arith.constant 80 : i32
      "tpu.region"() ({
        %run_scoped3A = tpu.sem_alloc : memref<!tpu.dma_semaphore, #tpu.memory_space<semaphore_mem>>
        %dma_start3A_150 = arith.constant 0 : i32
        %dma_start3A_151 = arith.constant 0 : i32
        %dma_start3A_152 = tpu.memref_slice %arg15[%dma_start3A_150, %dma_start3A_151] : memref<10240x32xf32, #tpu.memory_space<vmem_shared>> -> memref<10240x32xf32, #tpu.memory_space<vmem_shared>>
        tpu.enqueue_indirect_dma source(%arg13 : memref<80x32xf32, #tpu.memory_space<vmem>>) target(%dma_start3A_152 : memref<10240x32xf32, #tpu.memory_space<vmem_shared>>) offsets(%arg12 : memref<80xi32, #tpu.memory_space<vmem>>) semaphore(%run_scoped3A : memref<!tpu.dma_semaphore, #tpu.memory_space<semaphore_mem>>) {add = true}
        %dma_wait3A_153 = arith.constant 0 : i32
        %dma_wait3A_154 = arith.constant 0 : i32
        %dma_wait3A_155 = tpu.memref_slice %arg15[%dma_wait3A_153, %dma_wait3A_154] : memref<10240x32xf32, #tpu.memory_space<vmem_shared>> -> memref<10240x32xf32, #tpu.memory_space<vmem_shared>>
        tpu.wait_indirect_dma semaphore(%run_scoped3A : memref<!tpu.dma_semaphore, #tpu.memory_space<semaphore_mem>>) src(%arg13 : memref<80x32xf32, #tpu.memory_space<vmem>>) dst(%dma_wait3A_155 : memref<10240x32xf32, #tpu.memory_space<vmem_shared>>)
        tpu.yield
      }) : () -> ()
    }
    %scan3A_9 = arith.constant 125 : i32
    %barrier3A_10 = arith.constant 0 : index
    tpu.barrier barrier_id(%barrier3A_10)
    "tpu.region"() ({
      %run_scoped3A = tpu.sem_alloc : memref<!tpu.dma_semaphore, #tpu.memory_space<semaphore_mem>>
      %dma_start3A = arith.constant 0 : i32
      %dma_start3A_11 = tpu.memref_slice %arg8[%arg0, %mul3A_2, %dma_start3A] : memref<2x10240x32xf32, #tpu.memory_space<hbm>> -> memref<1x640x32xf32, #tpu.memory_space<hbm>>
      %dma_start3A_12 = tpu.memref_squeeze %dma_start3A_11 : memref<1x640x32xf32, #tpu.memory_space<hbm>> -> memref<640x32xf32, #tpu.memory_space<hbm>>
      %dma_start3A_13 = arith.constant 0 : i32
      %dma_start3A_14 = tpu.memref_slice %arg15[%mul3A_2, %dma_start3A_13] : memref<10240x32xf32, #tpu.memory_space<vmem_shared>> -> memref<640x32xf32, #tpu.memory_space<vmem_shared>>
      tpu.enqueue_dma source(%dma_start3A_14 : memref<640x32xf32, #tpu.memory_space<vmem_shared>>) target(%dma_start3A_12 : memref<640x32xf32, #tpu.memory_space<hbm>>) target_semaphore(%run_scoped3A : memref<!tpu.dma_semaphore, #tpu.memory_space<semaphore_mem>>)
      %dma_wait3A = arith.constant 0 : i32
      %dma_wait3A_15 = tpu.memref_slice %arg8[%arg0, %mul3A_2, %dma_wait3A] : memref<2x10240x32xf32, #tpu.memory_space<hbm>> -> memref<1x640x32xf32, #tpu.memory_space<hbm>>
      %dma_wait3A_16 = tpu.memref_squeeze %dma_wait3A_15 : memref<1x640x32xf32, #tpu.memory_space<hbm>> -> memref<640x32xf32, #tpu.memory_space<hbm>>
      %dma_wait3A_17 = arith.constant 0 : i32
      %dma_wait3A_18 = tpu.memref_slice %arg15[%mul3A_2, %dma_wait3A_17] : memref<10240x32xf32, #tpu.memory_space<vmem_shared>> -> memref<640x32xf32, #tpu.memory_space<vmem_shared>>
      tpu.wait_dma2 semaphore(%run_scoped3A : memref<!tpu.dma_semaphore, #tpu.memory_space<semaphore_mem>>) src(%dma_wait3A_18 : memref<640x32xf32, #tpu.memory_space<vmem_shared>>) dst(%dma_wait3A_16 : memref<640x32xf32, #tpu.memory_space<hbm>>)
      tpu.yield
    }) : () -> ()
    return
  }
}

#map = affine_map<(d0, d1) -> (0, 0)>
#map1 = affine_map<(d0, d1) -> (0, 0, 0)>
#map2 = affine_map<(d0, d1) -> (0)>
module attributes {stable_mosaic.version = 14 : i64} {
  func.func @sc_edge_pass(%arg0: i32, %arg1: i32, %arg2: memref<10240x48xf32, #tpu.memory_space<hbm>>, %arg3: memref<2x10240x48xf32, #tpu.memory_space<hbm>>, %arg4: memref<10112xf32, #tpu.memory_space<hbm>>, %arg5: memref<10112xf32, #tpu.memory_space<hbm>>, %arg6: memref<320000xi32, #tpu.memory_space<hbm>>, %arg7: memref<320000xi32, #tpu.memory_space<hbm>>, %arg8: memref<2x10240x48xf32, #tpu.memory_space<hbm>>, %arg9: memref<10112xf32, #tpu.memory_space<vmem>>, %arg10: memref<10112xf32, #tpu.memory_space<vmem>>, %arg11: memref<80xi32, #tpu.memory_space<vmem>>, %arg12: memref<80xi32, #tpu.memory_space<vmem>>, %arg13: memref<80x48xf32, #tpu.memory_space<vmem>>, %arg14: memref<80xf32, #tpu.memory_space<vmem>>, %arg15: memref<10240x48xf32, #tpu.memory_space<vmem_shared>>, %arg16: memref<!tpu.dma_semaphore, #tpu.memory_space<semaphore_mem>>) attributes {dimension_semantics = [#tpu.dimension_semantics<core_parallel>, #tpu.dimension_semantics<subcore_parallel>], iteration_bounds = array<i64: 2, 16>, scalar_prefetch = 0 : i64, scratch_operands = 8 : i64, tpu.core_type = #tpu.core_type<sc_vector_subcore>, window_params = [{transform_indices = #map}, {transform_indices = #map1}, {transform_indices = #map2}, {transform_indices = #map2}, {transform_indices = #map2}, {transform_indices = #map2}, {transform_indices = #map1}]} {
    %mul3A = arith.constant 16 : i32
    %mul3A_0 = arith.muli %arg0, %mul3A : i32
    %add3A = arith.addi %mul3A_0, %arg1 : i32
    %mul3A_1 = arith.constant 640 : i32
    %mul3A_2 = arith.muli %arg1, %mul3A_1 : i32
    "tpu.region"() ({
      %run_scoped3A = tpu.sem_alloc : memref<!tpu.dma_semaphore, #tpu.memory_space<semaphore_mem>>
      %dma_start3A = arith.constant 0 : i32
      %dma_start3A_11 = tpu.memref_slice %arg15[%mul3A_2, %dma_start3A] : memref<10240x48xf32, #tpu.memory_space<vmem_shared>> -> memref<640x48xf32, #tpu.memory_space<vmem_shared>>
      %dma_start3A_12 = arith.constant 0 : i32
      %dma_start3A_13 = tpu.memref_slice %arg3[%arg0, %mul3A_2, %dma_start3A_12] : memref<2x10240x48xf32, #tpu.memory_space<hbm>> -> memref<1x640x48xf32, #tpu.memory_space<hbm>>
      %dma_start3A_14 = tpu.memref_squeeze %dma_start3A_13 : memref<1x640x48xf32, #tpu.memory_space<hbm>> -> memref<640x48xf32, #tpu.memory_space<hbm>>
      tpu.enqueue_dma source(%dma_start3A_14 : memref<640x48xf32, #tpu.memory_space<hbm>>) target(%dma_start3A_11 : memref<640x48xf32, #tpu.memory_space<vmem_shared>>) target_semaphore(%run_scoped3A : memref<!tpu.dma_semaphore, #tpu.memory_space<semaphore_mem>>)
      %dma_wait3A = arith.constant 0 : i32
      %dma_wait3A_15 = tpu.memref_slice %arg15[%mul3A_2, %dma_wait3A] : memref<10240x48xf32, #tpu.memory_space<vmem_shared>> -> memref<640x48xf32, #tpu.memory_space<vmem_shared>>
      %dma_wait3A_16 = arith.constant 0 : i32
      %dma_wait3A_17 = tpu.memref_slice %arg3[%arg0, %mul3A_2, %dma_wait3A_16] : memref<2x10240x48xf32, #tpu.memory_space<hbm>> -> memref<1x640x48xf32, #tpu.memory_space<hbm>>
      %dma_wait3A_18 = tpu.memref_squeeze %dma_wait3A_17 : memref<1x640x48xf32, #tpu.memory_space<hbm>> -> memref<640x48xf32, #tpu.memory_space<hbm>>
      tpu.wait_dma2 semaphore(%run_scoped3A : memref<!tpu.dma_semaphore, #tpu.memory_space<semaphore_mem>>) src(%dma_wait3A_18 : memref<640x48xf32, #tpu.memory_space<hbm>>) dst(%dma_wait3A_15 : memref<640x48xf32, #tpu.memory_space<vmem_shared>>)
      tpu.yield
    }) : () -> ()
    "tpu.region"() ({
      %run_scoped3A = tpu.sem_alloc : memref<!tpu.dma_semaphore, #tpu.memory_space<semaphore_mem>>
      tpu.enqueue_dma source(%arg4 : memref<10112xf32, #tpu.memory_space<hbm>>) target(%arg9 : memref<10112xf32, #tpu.memory_space<vmem>>) target_semaphore(%run_scoped3A : memref<!tpu.dma_semaphore, #tpu.memory_space<semaphore_mem>>)
      tpu.wait_dma2 semaphore(%run_scoped3A : memref<!tpu.dma_semaphore, #tpu.memory_space<semaphore_mem>>) src(%arg4 : memref<10112xf32, #tpu.memory_space<hbm>>) dst(%arg9 : memref<10112xf32, #tpu.memory_space<vmem>>)
      tpu.yield
    }) : () -> ()
    "tpu.region"() ({
      %run_scoped3A = tpu.sem_alloc : memref<!tpu.dma_semaphore, #tpu.memory_space<semaphore_mem>>
      tpu.enqueue_dma source(%arg5 : memref<10112xf32, #tpu.memory_space<hbm>>) target(%arg10 : memref<10112xf32, #tpu.memory_space<vmem>>) target_semaphore(%run_scoped3A : memref<!tpu.dma_semaphore, #tpu.memory_space<semaphore_mem>>)
      tpu.wait_dma2 semaphore(%run_scoped3A : memref<!tpu.dma_semaphore, #tpu.memory_space<semaphore_mem>>) src(%arg5 : memref<10112xf32, #tpu.memory_space<hbm>>) dst(%arg10 : memref<10112xf32, #tpu.memory_space<vmem>>)
      tpu.yield
    }) : () -> ()
    %barrier3A = arith.constant 0 : index
    tpu.barrier barrier_id(%barrier3A)
    %mul3A_3 = arith.constant 10000 : i32
    %mul3A_4 = arith.muli %add3A, %mul3A_3 : i32
    %scan3A = arith.constant 0 : i32
    %scan3A_5 = arith.constant 0 : i32
    %scan3A_6 = arith.constant 125 : i32
    %scan3A_7 = arith.addi %scan3A_5, %scan3A_6 : i32
    %scan3A_8 = arith.constant 1 : i32
    scf.for %scan3A_11 = %scan3A_5 to %scan3A_7 step %scan3A_8  : i32 {
      %mul3A_12 = arith.constant 80 : i32
      %mul3A_13 = arith.muli %scan3A_11, %mul3A_12 : i32
      %add3A_14 = arith.addi %mul3A_4, %mul3A_13 : i32
      "tpu.region"() ({
        %run_scoped3A = tpu.sem_alloc : memref<!tpu.dma_semaphore, #tpu.memory_space<semaphore_mem>>
        %dma_start3A_150 = tpu.memref_slice %arg6[%add3A_14] : memref<320000xi32, #tpu.memory_space<hbm>> -> memref<80xi32, #tpu.memory_space<hbm>>
        %dma_start3A_151 = tpu.memref_slice %arg6[%add3A_14] : memref<320000xi32, #tpu.memory_space<hbm>> -> memref<80xi32, #tpu.memory_space<hbm>>
        tpu.enqueue_dma source(%dma_start3A_151 : memref<80xi32, #tpu.memory_space<hbm>>) target(%arg11 : memref<80xi32, #tpu.memory_space<vmem>>) target_semaphore(%run_scoped3A : memref<!tpu.dma_semaphore, #tpu.memory_space<semaphore_mem>>)
        %dma_wait3A_152 = tpu.memref_slice %arg6[%add3A_14] : memref<320000xi32, #tpu.memory_space<hbm>> -> memref<80xi32, #tpu.memory_space<hbm>>
        %dma_wait3A_153 = tpu.memref_slice %arg6[%add3A_14] : memref<320000xi32, #tpu.memory_space<hbm>> -> memref<80xi32, #tpu.memory_space<hbm>>
        tpu.wait_dma2 semaphore(%run_scoped3A : memref<!tpu.dma_semaphore, #tpu.memory_space<semaphore_mem>>) src(%dma_wait3A_153 : memref<80xi32, #tpu.memory_space<hbm>>) dst(%arg11 : memref<80xi32, #tpu.memory_space<vmem>>)
        tpu.yield
      }) : () -> ()
      "tpu.region"() ({
        %run_scoped3A = tpu.sem_alloc : memref<!tpu.dma_semaphore, #tpu.memory_space<semaphore_mem>>
        %dma_start3A_150 = tpu.memref_slice %arg7[%add3A_14] : memref<320000xi32, #tpu.memory_space<hbm>> -> memref<80xi32, #tpu.memory_space<hbm>>
        %dma_start3A_151 = tpu.memref_slice %arg7[%add3A_14] : memref<320000xi32, #tpu.memory_space<hbm>> -> memref<80xi32, #tpu.memory_space<hbm>>
        tpu.enqueue_dma source(%dma_start3A_151 : memref<80xi32, #tpu.memory_space<hbm>>) target(%arg12 : memref<80xi32, #tpu.memory_space<vmem>>) target_semaphore(%run_scoped3A : memref<!tpu.dma_semaphore, #tpu.memory_space<semaphore_mem>>)
        %dma_wait3A_152 = tpu.memref_slice %arg7[%add3A_14] : memref<320000xi32, #tpu.memory_space<hbm>> -> memref<80xi32, #tpu.memory_space<hbm>>
        %dma_wait3A_153 = tpu.memref_slice %arg7[%add3A_14] : memref<320000xi32, #tpu.memory_space<hbm>> -> memref<80xi32, #tpu.memory_space<hbm>>
        tpu.wait_dma2 semaphore(%run_scoped3A : memref<!tpu.dma_semaphore, #tpu.memory_space<semaphore_mem>>) src(%dma_wait3A_153 : memref<80xi32, #tpu.memory_space<hbm>>) dst(%arg12 : memref<80xi32, #tpu.memory_space<vmem>>)
        tpu.yield
      }) : () -> ()
      %dma_start3A = arith.constant 0 : i32
      %dma_start3A_15 = arith.constant 0 : i32
      %dma_start3A_16 = tpu.memref_slice %arg2[%dma_start3A, %dma_start3A_15] : memref<10240x48xf32, #tpu.memory_space<hbm>> -> memref<10240x48xf32, #tpu.memory_space<hbm>>
      tpu.enqueue_indirect_dma source(%dma_start3A_16 : memref<10240x48xf32, #tpu.memory_space<hbm>>) target(%arg13 : memref<80x48xf32, #tpu.memory_space<vmem>>) offsets(%arg11 : memref<80xi32, #tpu.memory_space<vmem>>) semaphore(%arg16 : memref<!tpu.dma_semaphore, #tpu.memory_space<semaphore_mem>>)
      %dma_wait3A = arith.constant 0 : i32
      %dma_wait3A_17 = arith.constant 0 : i32
      %dma_wait3A_18 = tpu.memref_slice %arg2[%dma_wait3A, %dma_wait3A_17] : memref<10240x48xf32, #tpu.memory_space<hbm>> -> memref<10240x48xf32, #tpu.memory_space<hbm>>
      tpu.wait_indirect_dma semaphore(%arg16 : memref<!tpu.dma_semaphore, #tpu.memory_space<semaphore_mem>>) src(%dma_wait3A_18 : memref<10240x48xf32, #tpu.memory_space<hbm>>) dst(%arg13 : memref<80x48xf32, #tpu.memory_space<vmem>>)
      %get3A = arith.constant 10000 : index
      %get3A_19 = tpu.vector_load %arg9[%get3A] {strides = array<i32>} : memref<10112xf32, #tpu.memory_space<vmem>>, vector<16xf32>,
      %get3A_20 = arith.constant 0 : index
      %get3A_21 = tpu.vector_load %arg11[%get3A_20] {strides = array<i32>} : memref<80xi32, #tpu.memory_space<vmem>>, vector<16xi32>,
      %get3A_22 = arith.constant 0 : index
      %get3A_23 = tpu.vector_load %arg12[%get3A_22] {strides = array<i32>} : memref<80xi32, #tpu.memory_space<vmem>>, vector<16xi32>,
      %gather3A = tpu.vector_load_idx %arg9[%get3A_21] : memref<10112xf32, #tpu.memory_space<vmem>>[vector<16xi32>], vector<16xf32>,
      %gather3A_24 = tpu.vector_load_idx %arg10[%get3A_23] : memref<10112xf32, #tpu.memory_space<vmem>>[vector<16xi32>], vector<16xf32>,
      %add3A_25 = arith.addf %gather3A, %gather3A_24 : vector<16xf32>
      %gt3A = arith.constant 0.000000e+00 : f32
      %gt3A_26 = vector.broadcast %gt3A : f32 to vector<16xf32>
      %gt3A_27 = arith.cmpf ogt, %add3A_25, %gt3A_26 : vector<16xf32>
      %mul3A_28 = arith.constant 2.000000e-01 : f32
      %mul3A_29 = vector.broadcast %mul3A_28 : f32 to vector<16xf32>
      %mul3A_30 = arith.mulf %mul3A_29, %add3A_25 : vector<16xf32>
      %select_n3A = arith.select %gt3A_27, %add3A_25, %mul3A_30 : vector<16xi1>, vector<16xf32>
      %add3A_31 = arith.addf %get3A_19, %gather3A_24 : vector<16xf32>
      %gt3A_32 = arith.constant 0.000000e+00 : f32
      %gt3A_33 = vector.broadcast %gt3A_32 : f32 to vector<16xf32>
      %gt3A_34 = arith.cmpf ogt, %add3A_31, %gt3A_33 : vector<16xf32>
      %mul3A_35 = arith.constant 2.000000e-01 : f32
      %mul3A_36 = vector.broadcast %mul3A_35 : f32 to vector<16xf32>
      %mul3A_37 = arith.mulf %mul3A_36, %add3A_31 : vector<16xf32>
      %select_n3A_38 = arith.select %gt3A_34, %add3A_31, %mul3A_37 : vector<16xi1>, vector<16xf32>
      %sub3A = arith.subf %select_n3A, %select_n3A_38 : vector<16xf32>
      %exp3A = math.exp %sub3A : vector<16xf32>
      %swap3A = arith.constant 0 : index
      %swap3A_39 = tpu.vector_load %arg14[%swap3A] {strides = array<i32>} : memref<80xf32, #tpu.memory_space<vmem>>, vector<16xf32>,
      tpu.vector_store %arg14[%swap3A], %exp3A {strides = array<i32>} : memref<80xf32, #tpu.memory_space<vmem>>, vector<16xf32>,
      %get3A_40 = arith.constant 16 : index
      %get3A_41 = tpu.vector_load %arg11[%get3A_40] {strides = array<i32>} : memref<80xi32, #tpu.memory_space<vmem>>, vector<16xi32>,
      %get3A_42 = arith.constant 16 : index
      %get3A_43 = tpu.vector_load %arg12[%get3A_42] {strides = array<i32>} : memref<80xi32, #tpu.memory_space<vmem>>, vector<16xi32>,
      %gather3A_44 = tpu.vector_load_idx %arg9[%get3A_41] : memref<10112xf32, #tpu.memory_space<vmem>>[vector<16xi32>], vector<16xf32>,
      %gather3A_45 = tpu.vector_load_idx %arg10[%get3A_43] : memref<10112xf32, #tpu.memory_space<vmem>>[vector<16xi32>], vector<16xf32>,
      %add3A_46 = arith.addf %gather3A_44, %gather3A_45 : vector<16xf32>
      %gt3A_47 = arith.constant 0.000000e+00 : f32
      %gt3A_48 = vector.broadcast %gt3A_47 : f32 to vector<16xf32>
      %gt3A_49 = arith.cmpf ogt, %add3A_46, %gt3A_48 : vector<16xf32>
      %mul3A_50 = arith.constant 2.000000e-01 : f32
      %mul3A_51 = vector.broadcast %mul3A_50 : f32 to vector<16xf32>
      %mul3A_52 = arith.mulf %mul3A_51, %add3A_46 : vector<16xf32>
      %select_n3A_53 = arith.select %gt3A_49, %add3A_46, %mul3A_52 : vector<16xi1>, vector<16xf32>
      %add3A_54 = arith.addf %get3A_19, %gather3A_45 : vector<16xf32>
      %gt3A_55 = arith.constant 0.000000e+00 : f32
      %gt3A_56 = vector.broadcast %gt3A_55 : f32 to vector<16xf32>
      %gt3A_57 = arith.cmpf ogt, %add3A_54, %gt3A_56 : vector<16xf32>
      %mul3A_58 = arith.constant 2.000000e-01 : f32
      %mul3A_59 = vector.broadcast %mul3A_58 : f32 to vector<16xf32>
      %mul3A_60 = arith.mulf %mul3A_59, %add3A_54 : vector<16xf32>
      %select_n3A_61 = arith.select %gt3A_57, %add3A_54, %mul3A_60 : vector<16xi1>, vector<16xf32>
      %sub3A_62 = arith.subf %select_n3A_53, %select_n3A_61 : vector<16xf32>
      %exp3A_63 = math.exp %sub3A_62 : vector<16xf32>
      %swap3A_64 = arith.constant 16 : index
      %swap3A_65 = tpu.vector_load %arg14[%swap3A_64] {strides = array<i32>} : memref<80xf32, #tpu.memory_space<vmem>>, vector<16xf32>,
      tpu.vector_store %arg14[%swap3A_64], %exp3A_63 {strides = array<i32>} : memref<80xf32, #tpu.memory_space<vmem>>, vector<16xf32>,
      %get3A_66 = arith.constant 32 : index
      %get3A_67 = tpu.vector_load %arg11[%get3A_66] {strides = array<i32>} : memref<80xi32, #tpu.memory_space<vmem>>, vector<16xi32>,
      %get3A_68 = arith.constant 32 : index
      %get3A_69 = tpu.vector_load %arg12[%get3A_68] {strides = array<i32>} : memref<80xi32, #tpu.memory_space<vmem>>, vector<16xi32>,
      %gather3A_70 = tpu.vector_load_idx %arg9[%get3A_67] : memref<10112xf32, #tpu.memory_space<vmem>>[vector<16xi32>], vector<16xf32>,
      %gather3A_71 = tpu.vector_load_idx %arg10[%get3A_69] : memref<10112xf32, #tpu.memory_space<vmem>>[vector<16xi32>], vector<16xf32>,
      %add3A_72 = arith.addf %gather3A_70, %gather3A_71 : vector<16xf32>
      %gt3A_73 = arith.constant 0.000000e+00 : f32
      %gt3A_74 = vector.broadcast %gt3A_73 : f32 to vector<16xf32>
      %gt3A_75 = arith.cmpf ogt, %add3A_72, %gt3A_74 : vector<16xf32>
      %mul3A_76 = arith.constant 2.000000e-01 : f32
      %mul3A_77 = vector.broadcast %mul3A_76 : f32 to vector<16xf32>
      %mul3A_78 = arith.mulf %mul3A_77, %add3A_72 : vector<16xf32>
      %select_n3A_79 = arith.select %gt3A_75, %add3A_72, %mul3A_78 : vector<16xi1>, vector<16xf32>
      %add3A_80 = arith.addf %get3A_19, %gather3A_71 : vector<16xf32>
      %gt3A_81 = arith.constant 0.000000e+00 : f32
      %gt3A_82 = vector.broadcast %gt3A_81 : f32 to vector<16xf32>
      %gt3A_83 = arith.cmpf ogt, %add3A_80, %gt3A_82 : vector<16xf32>
      %mul3A_84 = arith.constant 2.000000e-01 : f32
      %mul3A_85 = vector.broadcast %mul3A_84 : f32 to vector<16xf32>
      %mul3A_86 = arith.mulf %mul3A_85, %add3A_80 : vector<16xf32>
      %select_n3A_87 = arith.select %gt3A_83, %add3A_80, %mul3A_86 : vector<16xi1>, vector<16xf32>
      %sub3A_88 = arith.subf %select_n3A_79, %select_n3A_87 : vector<16xf32>
      %exp3A_89 = math.exp %sub3A_88 : vector<16xf32>
      %swap3A_90 = arith.constant 32 : index
      %swap3A_91 = tpu.vector_load %arg14[%swap3A_90] {strides = array<i32>} : memref<80xf32, #tpu.memory_space<vmem>>, vector<16xf32>,
      tpu.vector_store %arg14[%swap3A_90], %exp3A_89 {strides = array<i32>} : memref<80xf32, #tpu.memory_space<vmem>>, vector<16xf32>,
      %get3A_92 = arith.constant 48 : index
      %get3A_93 = tpu.vector_load %arg11[%get3A_92] {strides = array<i32>} : memref<80xi32, #tpu.memory_space<vmem>>, vector<16xi32>,
      %get3A_94 = arith.constant 48 : index
      %get3A_95 = tpu.vector_load %arg12[%get3A_94] {strides = array<i32>} : memref<80xi32, #tpu.memory_space<vmem>>, vector<16xi32>,
      %gather3A_96 = tpu.vector_load_idx %arg9[%get3A_93] : memref<10112xf32, #tpu.memory_space<vmem>>[vector<16xi32>], vector<16xf32>,
      %gather3A_97 = tpu.vector_load_idx %arg10[%get3A_95] : memref<10112xf32, #tpu.memory_space<vmem>>[vector<16xi32>], vector<16xf32>,
      %add3A_98 = arith.addf %gather3A_96, %gather3A_97 : vector<16xf32>
      %gt3A_99 = arith.constant 0.000000e+00 : f32
      %gt3A_100 = vector.broadcast %gt3A_99 : f32 to vector<16xf32>
      %gt3A_101 = arith.cmpf ogt, %add3A_98, %gt3A_100 : vector<16xf32>
      %mul3A_102 = arith.constant 2.000000e-01 : f32
      %mul3A_103 = vector.broadcast %mul3A_102 : f32 to vector<16xf32>
      %mul3A_104 = arith.mulf %mul3A_103, %add3A_98 : vector<16xf32>
      %select_n3A_105 = arith.select %gt3A_101, %add3A_98, %mul3A_104 : vector<16xi1>, vector<16xf32>
      %add3A_106 = arith.addf %get3A_19, %gather3A_97 : vector<16xf32>
      %gt3A_107 = arith.constant 0.000000e+00 : f32
      %gt3A_108 = vector.broadcast %gt3A_107 : f32 to vector<16xf32>
      %gt3A_109 = arith.cmpf ogt, %add3A_106, %gt3A_108 : vector<16xf32>
      %mul3A_110 = arith.constant 2.000000e-01 : f32
      %mul3A_111 = vector.broadcast %mul3A_110 : f32 to vector<16xf32>
      %mul3A_112 = arith.mulf %mul3A_111, %add3A_106 : vector<16xf32>
      %select_n3A_113 = arith.select %gt3A_109, %add3A_106, %mul3A_112 : vector<16xi1>, vector<16xf32>
      %sub3A_114 = arith.subf %select_n3A_105, %select_n3A_113 : vector<16xf32>
      %exp3A_115 = math.exp %sub3A_114 : vector<16xf32>
      %swap3A_116 = arith.constant 48 : index
      %swap3A_117 = tpu.vector_load %arg14[%swap3A_116] {strides = array<i32>} : memref<80xf32, #tpu.memory_space<vmem>>, vector<16xf32>,
      tpu.vector_store %arg14[%swap3A_116], %exp3A_115 {strides = array<i32>} : memref<80xf32, #tpu.memory_space<vmem>>, vector<16xf32>,
      %get3A_118 = arith.constant 64 : index
      %get3A_119 = tpu.vector_load %arg11[%get3A_118] {strides = array<i32>} : memref<80xi32, #tpu.memory_space<vmem>>, vector<16xi32>,
      %get3A_120 = arith.constant 64 : index
      %get3A_121 = tpu.vector_load %arg12[%get3A_120] {strides = array<i32>} : memref<80xi32, #tpu.memory_space<vmem>>, vector<16xi32>,
      %gather3A_122 = tpu.vector_load_idx %arg9[%get3A_119] : memref<10112xf32, #tpu.memory_space<vmem>>[vector<16xi32>], vector<16xf32>,
      %gather3A_123 = tpu.vector_load_idx %arg10[%get3A_121] : memref<10112xf32, #tpu.memory_space<vmem>>[vector<16xi32>], vector<16xf32>,
      %add3A_124 = arith.addf %gather3A_122, %gather3A_123 : vector<16xf32>
      %gt3A_125 = arith.constant 0.000000e+00 : f32
      %gt3A_126 = vector.broadcast %gt3A_125 : f32 to vector<16xf32>
      %gt3A_127 = arith.cmpf ogt, %add3A_124, %gt3A_126 : vector<16xf32>
      %mul3A_128 = arith.constant 2.000000e-01 : f32
      %mul3A_129 = vector.broadcast %mul3A_128 : f32 to vector<16xf32>
      %mul3A_130 = arith.mulf %mul3A_129, %add3A_124 : vector<16xf32>
      %select_n3A_131 = arith.select %gt3A_127, %add3A_124, %mul3A_130 : vector<16xi1>, vector<16xf32>
      %add3A_132 = arith.addf %get3A_19, %gather3A_123 : vector<16xf32>
      %gt3A_133 = arith.constant 0.000000e+00 : f32
      %gt3A_134 = vector.broadcast %gt3A_133 : f32 to vector<16xf32>
      %gt3A_135 = arith.cmpf ogt, %add3A_132, %gt3A_134 : vector<16xf32>
      %mul3A_136 = arith.constant 2.000000e-01 : f32
      %mul3A_137 = vector.broadcast %mul3A_136 : f32 to vector<16xf32>
      %mul3A_138 = arith.mulf %mul3A_137, %add3A_132 : vector<16xf32>
      %select_n3A_139 = arith.select %gt3A_135, %add3A_132, %mul3A_138 : vector<16xi1>, vector<16xf32>
      %sub3A_140 = arith.subf %select_n3A_131, %select_n3A_139 : vector<16xf32>
      %exp3A_141 = math.exp %sub3A_140 : vector<16xf32>
      %swap3A_142 = arith.constant 64 : index
      %swap3A_143 = tpu.vector_load %arg14[%swap3A_142] {strides = array<i32>} : memref<80xf32, #tpu.memory_space<vmem>>, vector<16xf32>,
      tpu.vector_store %arg14[%swap3A_142], %exp3A_141 {strides = array<i32>} : memref<80xf32, #tpu.memory_space<vmem>>, vector<16xf32>,
      %scan3A_144 = arith.constant 0 : i32
      %scan3A_145 = arith.constant 0 : i32
      %scan3A_146 = arith.constant 80 : i32
      %scan3A_147 = arith.addi %scan3A_145, %scan3A_146 : i32
      %scan3A_148 = arith.constant 1 : i32
      scf.for %scan3A_150 = %scan3A_145 to %scan3A_147 step %scan3A_148  : i32 {
        %broadcast_in_dim3A = vector.broadcast %scan3A_150 : i32 to vector<16xi32>
        %gather3A_151 = tpu.vector_load_idx %arg14[%broadcast_in_dim3A] : memref<80xf32, #tpu.memory_space<vmem>>[vector<16xi32>], vector<16xf32>,
        %get3A_152 = arith.index_cast %scan3A_150 : i32 to index
        %get3A_153 = arith.constant 0 : index
        %get3A_154 = tpu.vector_load %arg13[%get3A_152, %get3A_153] {strides = array<i32>} : memref<80x48xf32, #tpu.memory_space<vmem>>, vector<16xf32>,
        %mul3A_155 = arith.mulf %get3A_154, %gather3A_151 : vector<16xf32>
        %swap3A_156 = arith.index_cast %scan3A_150 : i32 to index
        %swap3A_157 = arith.constant 0 : index
        %swap3A_158 = tpu.vector_load %arg13[%swap3A_156, %swap3A_157] {strides = array<i32>} : memref<80x48xf32, #tpu.memory_space<vmem>>, vector<16xf32>,
        tpu.vector_store %arg13[%swap3A_156, %swap3A_157], %mul3A_155 {strides = array<i32>} : memref<80x48xf32, #tpu.memory_space<vmem>>, vector<16xf32>,
        %get3A_159 = arith.index_cast %scan3A_150 : i32 to index
        %get3A_160 = arith.constant 16 : index
        %get3A_161 = tpu.vector_load %arg13[%get3A_159, %get3A_160] {strides = array<i32>} : memref<80x48xf32, #tpu.memory_space<vmem>>, vector<16xf32>,
        %mul3A_162 = arith.mulf %get3A_161, %gather3A_151 : vector<16xf32>
        %swap3A_163 = arith.index_cast %scan3A_150 : i32 to index
        %swap3A_164 = arith.constant 16 : index
        %swap3A_165 = tpu.vector_load %arg13[%swap3A_163, %swap3A_164] {strides = array<i32>} : memref<80x48xf32, #tpu.memory_space<vmem>>, vector<16xf32>,
        tpu.vector_store %arg13[%swap3A_163, %swap3A_164], %mul3A_162 {strides = array<i32>} : memref<80x48xf32, #tpu.memory_space<vmem>>, vector<16xf32>,
        %get3A_166 = arith.index_cast %scan3A_150 : i32 to index
        %get3A_167 = arith.constant 32 : index
        %get3A_168 = tpu.vector_load %arg13[%get3A_166, %get3A_167] {strides = array<i32>} : memref<80x48xf32, #tpu.memory_space<vmem>>, vector<16xf32>,
        %mul3A_169 = arith.mulf %get3A_168, %gather3A_151 : vector<16xf32>
        %swap3A_170 = arith.index_cast %scan3A_150 : i32 to index
        %swap3A_171 = arith.constant 32 : index
        %swap3A_172 = tpu.vector_load %arg13[%swap3A_170, %swap3A_171] {strides = array<i32>} : memref<80x48xf32, #tpu.memory_space<vmem>>, vector<16xf32>,
        tpu.vector_store %arg13[%swap3A_170, %swap3A_171], %mul3A_169 {strides = array<i32>} : memref<80x48xf32, #tpu.memory_space<vmem>>, vector<16xf32>,
      }
      %scan3A_149 = arith.constant 80 : i32
      "tpu.region"() ({
        %run_scoped3A = tpu.sem_alloc : memref<!tpu.dma_semaphore, #tpu.memory_space<semaphore_mem>>
        %dma_start3A_150 = arith.constant 0 : i32
        %dma_start3A_151 = arith.constant 0 : i32
        %dma_start3A_152 = tpu.memref_slice %arg15[%dma_start3A_150, %dma_start3A_151] : memref<10240x48xf32, #tpu.memory_space<vmem_shared>> -> memref<10240x48xf32, #tpu.memory_space<vmem_shared>>
        tpu.enqueue_indirect_dma source(%arg13 : memref<80x48xf32, #tpu.memory_space<vmem>>) target(%dma_start3A_152 : memref<10240x48xf32, #tpu.memory_space<vmem_shared>>) offsets(%arg12 : memref<80xi32, #tpu.memory_space<vmem>>) semaphore(%run_scoped3A : memref<!tpu.dma_semaphore, #tpu.memory_space<semaphore_mem>>) {add = true}
        %dma_wait3A_153 = arith.constant 0 : i32
        %dma_wait3A_154 = arith.constant 0 : i32
        %dma_wait3A_155 = tpu.memref_slice %arg15[%dma_wait3A_153, %dma_wait3A_154] : memref<10240x48xf32, #tpu.memory_space<vmem_shared>> -> memref<10240x48xf32, #tpu.memory_space<vmem_shared>>
        tpu.wait_indirect_dma semaphore(%run_scoped3A : memref<!tpu.dma_semaphore, #tpu.memory_space<semaphore_mem>>) src(%arg13 : memref<80x48xf32, #tpu.memory_space<vmem>>) dst(%dma_wait3A_155 : memref<10240x48xf32, #tpu.memory_space<vmem_shared>>)
        tpu.yield
      }) : () -> ()
    }
    %scan3A_9 = arith.constant 125 : i32
    %barrier3A_10 = arith.constant 0 : index
    tpu.barrier barrier_id(%barrier3A_10)
    "tpu.region"() ({
      %run_scoped3A = tpu.sem_alloc : memref<!tpu.dma_semaphore, #tpu.memory_space<semaphore_mem>>
      %dma_start3A = arith.constant 0 : i32
      %dma_start3A_11 = tpu.memref_slice %arg8[%arg0, %mul3A_2, %dma_start3A] : memref<2x10240x48xf32, #tpu.memory_space<hbm>> -> memref<1x640x48xf32, #tpu.memory_space<hbm>>
      %dma_start3A_12 = tpu.memref_squeeze %dma_start3A_11 : memref<1x640x48xf32, #tpu.memory_space<hbm>> -> memref<640x48xf32, #tpu.memory_space<hbm>>
      %dma_start3A_13 = arith.constant 0 : i32
      %dma_start3A_14 = tpu.memref_slice %arg15[%mul3A_2, %dma_start3A_13] : memref<10240x48xf32, #tpu.memory_space<vmem_shared>> -> memref<640x48xf32, #tpu.memory_space<vmem_shared>>
      tpu.enqueue_dma source(%dma_start3A_14 : memref<640x48xf32, #tpu.memory_space<vmem_shared>>) target(%dma_start3A_12 : memref<640x48xf32, #tpu.memory_space<hbm>>) target_semaphore(%run_scoped3A : memref<!tpu.dma_semaphore, #tpu.memory_space<semaphore_mem>>)
      %dma_wait3A = arith.constant 0 : i32
      %dma_wait3A_15 = tpu.memref_slice %arg8[%arg0, %mul3A_2, %dma_wait3A] : memref<2x10240x48xf32, #tpu.memory_space<hbm>> -> memref<1x640x48xf32, #tpu.memory_space<hbm>>
      %dma_wait3A_16 = tpu.memref_squeeze %dma_wait3A_15 : memref<1x640x48xf32, #tpu.memory_space<hbm>> -> memref<640x48xf32, #tpu.memory_space<hbm>>
      %dma_wait3A_17 = arith.constant 0 : i32
      %dma_wait3A_18 = tpu.memref_slice %arg15[%mul3A_2, %dma_wait3A_17] : memref<10240x48xf32, #tpu.memory_space<vmem_shared>> -> memref<640x48xf32, #tpu.memory_space<vmem_shared>>
      tpu.wait_dma2 semaphore(%run_scoped3A : memref<!tpu.dma_semaphore, #tpu.memory_space<semaphore_mem>>) src(%dma_wait3A_18 : memref<640x48xf32, #tpu.memory_space<vmem_shared>>) dst(%dma_wait3A_16 : memref<640x48xf32, #tpu.memory_space<hbm>>)
      tpu.yield
    }) : () -> ()
    return
  }
}

module attributes {stable_mosaic.version = 14 : i64} {
  func.func @_tc_pre_body(%arg0: memref<10000x128xf32, #tpu.memory_space<vmem>>, %arg1: memref<128x16xf32, #tpu.memory_space<vmem>>, %arg2: memref<1x16xf32, #tpu.memory_space<vmem>>, %arg3: memref<1x16xf32, #tpu.memory_space<vmem>>, %arg4: memref<10240x32xf32, #tpu.memory_space<vmem>>, %arg5: memref<2x10240x32xf32, #tpu.memory_space<vmem>>, %arg6: memref<10000x1xf32, #tpu.memory_space<vmem>>, %arg7: memref<10000x1xf32, #tpu.memory_space<vmem>>, %arg8: memref<1x1xf32, #tpu.memory_space<vmem>>) attributes {dimension_semantics = [], scalar_prefetch = 0 : i64, scratch_operands = 0 : i64, tpu.core_type = #tpu.core_type<tc>} {
    %get3A = arith.constant 0 : index
    %get3A_0 = arith.constant 0 : index
    %get3A_1 = vector.load %arg0[%get3A, %get3A_0] : memref<10000x128xf32, #tpu.memory_space<vmem>>, vector<10000x128xf32>
    %get3A_2 = arith.constant 0 : index
    %get3A_3 = arith.constant 0 : index
    %get3A_4 = vector.load %arg1[%get3A_2, %get3A_3] : memref<128x16xf32, #tpu.memory_space<vmem>>, vector<128x16xf32>
    %dot_general3A = arith.constant dense<0.000000e+00> : vector<10000x16xf32>
    %dot_general3A_5 = tpu.matmul %get3A_1, %get3A_4, %dot_general3A {dimension_numbers = #tpu.dot_dimension_numbers<[1], [0], [0], [1], [0, 0, 1, 1], [], []>, transpose_lhs_hint = false} : vector<10000x128xf32>, vector<128x16xf32>, vector<10000x16xf32> -> vector<10000x16xf32>
    %get3A_6 = arith.constant 0 : index
    %get3A_7 = arith.constant 0 : index
    %get3A_8 = vector.load %arg2[%get3A_6, %get3A_7] : memref<1x16xf32, #tpu.memory_space<vmem>>, vector<1x16xf32>
    %mul3A = vector.broadcast %get3A_8 : vector<1x16xf32> to vector<10000x16xf32>
    %mul3A_9 = arith.mulf %dot_general3A_5, %mul3A : vector<10000x16xf32>
    %reduce_sum3A = arith.constant dense<0.000000e+00> : vector<10000xf32>
    %reduce_sum3A_10 = vector.multi_reduction <add>, %mul3A_9, %reduce_sum3A [1] : vector<10000x16xf32> to vector<10000xf32>
    %broadcast_in_dim3A = vector.shape_cast %reduce_sum3A_10 : vector<10000xf32> to vector<10000x1xf32>
    %get3A_11 = arith.constant 0 : index
    %get3A_12 = arith.constant 0 : index
    %get3A_13 = vector.load %arg3[%get3A_11, %get3A_12] : memref<1x16xf32, #tpu.memory_space<vmem>>, vector<1x16xf32>
    %mul3A_14 = vector.broadcast %get3A_13 : vector<1x16xf32> to vector<10000x16xf32>
    %mul3A_15 = arith.mulf %dot_general3A_5, %mul3A_14 : vector<10000x16xf32>
    %reduce_sum3A_16 = arith.constant dense<0.000000e+00> : vector<10000xf32>
    %reduce_sum3A_17 = vector.multi_reduction <add>, %mul3A_15, %reduce_sum3A_16 [1] : vector<10000x16xf32> to vector<10000xf32>
    %broadcast_in_dim3A_18 = vector.shape_cast %reduce_sum3A_17 : vector<10000xf32> to vector<10000x1xf32>
    %reduce_max3A = vector.shape_cast %broadcast_in_dim3A : vector<10000x1xf32> to vector<1x10000x1xf32>
    %reduce_max3A_19 = arith.constant dense<0xFF800000> : vector<1xf32>
    %reduce_max3A_20 = vector.multi_reduction <maximumf>, %reduce_max3A, %reduce_max3A_19 [1, 2] : vector<1x10000x1xf32> to vector<1xf32>
    %reduce_max3A_21 = vector.shape_cast %reduce_max3A_20 : vector<1xf32> to vector<1x1x1xf32>
    %reduce_max3A_22 = vector.extract %reduce_max3A_21[0, 0, 0] : f32 from vector<1x1x1xf32>
    %add3A = arith.addf %broadcast_in_dim3A, %broadcast_in_dim3A_18 : vector<10000x1xf32>
    %add3A_23 = vector.broadcast %reduce_max3A_22 : f32 to vector<10000x1xf32>
    %add3A_24 = arith.addf %add3A_23, %broadcast_in_dim3A_18 : vector<10000x1xf32>
    %gt3A = arith.constant 0.000000e+00 : f32
    %gt3A_25 = vector.broadcast %gt3A : f32 to vector<10000x1xf32>
    %gt3A_26 = arith.cmpf ogt, %add3A_24, %gt3A_25 : vector<10000x1xf32>
    %mul3A_27 = arith.constant 2.000000e-01 : f32
    %mul3A_28 = vector.broadcast %mul3A_27 : f32 to vector<10000x1xf32>
    %mul3A_29 = arith.mulf %mul3A_28, %add3A_24 : vector<10000x1xf32>
    %select_n3A = arith.select %gt3A_26, %add3A_24, %mul3A_29 : vector<10000x1xi1>, vector<10000x1xf32>
    %gt3A_30 = arith.constant 0.000000e+00 : f32
    %gt3A_31 = vector.broadcast %gt3A_30 : f32 to vector<10000x1xf32>
    %gt3A_32 = arith.cmpf ogt, %add3A, %gt3A_31 : vector<10000x1xf32>
    %mul3A_33 = arith.constant 2.000000e-01 : f32
    %mul3A_34 = vector.broadcast %mul3A_33 : f32 to vector<10000x1xf32>
    %mul3A_35 = arith.mulf %mul3A_34, %add3A : vector<10000x1xf32>
    %select_n3A_36 = arith.select %gt3A_32, %add3A, %mul3A_35 : vector<10000x1xi1>, vector<10000x1xf32>
    %sub3A = arith.subf %select_n3A_36, %select_n3A : vector<10000x1xf32>
    %exp3A = math.exp %sub3A : vector<10000x1xf32>
    %broadcast_in_dim3A_37 = arith.constant 1.000000e+00 : f32
    %broadcast_in_dim3A_38 = vector.broadcast %broadcast_in_dim3A_37 : f32 to vector<10000x1xf32>
    %broadcast_in_dim3A_39 = arith.constant 0.000000e+00 : f32
    %broadcast_in_dim3A_40 = vector.broadcast %broadcast_in_dim3A_39 : f32 to vector<10000x15xf32>
    %concatenate3A = tpu.concatenate %dot_general3A_5, %broadcast_in_dim3A_38, %broadcast_in_dim3A_40 in 1 : vector<10000x16xf32>, vector<10000x1xf32>, vector<10000x15xf32> -> vector<10000x32xf32>
    %broadcast_in_dim3A_41 = arith.constant 0.000000e+00 : f32
    %broadcast_in_dim3A_42 = vector.broadcast %broadcast_in_dim3A_41 : f32 to vector<240x32xf32>
    %concatenate3A_43 = tpu.concatenate %concatenate3A, %broadcast_in_dim3A_42 in 0 : vector<10000x32xf32>, vector<240x32xf32> -> vector<10240x32xf32>
    %swap3A = arith.constant 0 : index
    %swap3A_44 = arith.constant 0 : index
    %swap3A_45 = vector.load %arg4[%swap3A, %swap3A_44] : memref<10240x32xf32, #tpu.memory_space<vmem>>, vector<10240x32xf32>
    tpu.vector_store %arg4[%swap3A, %swap3A_44], %concatenate3A_43 {strides = array<i32>} : memref<10240x32xf32, #tpu.memory_space<vmem>>, vector<10240x32xf32>,
    %mul3A_46 = vector.broadcast %exp3A : vector<10000x1xf32> to vector<10000x32xf32>
    %mul3A_47 = arith.mulf %mul3A_46, %concatenate3A : vector<10000x32xf32>
    %concatenate3A_48 = tpu.concatenate %mul3A_47, %broadcast_in_dim3A_42 in 0 : vector<10000x32xf32>, vector<240x32xf32> -> vector<10240x32xf32>
    %swap3A_49 = arith.constant 0 : index
    %swap3A_50 = arith.constant 0 : index
    %swap3A_51 = arith.constant 0 : index
    %swap3A_52 = vector.load %arg5[%swap3A_49, %swap3A_50, %swap3A_51] : memref<2x10240x32xf32, #tpu.memory_space<vmem>>, vector<1x10240x32xf32>
    %swap3A_53 = vector.shape_cast %swap3A_52 : vector<1x10240x32xf32> to vector<10240x32xf32>
    %swap3A_54 = vector.shape_cast %concatenate3A_48 : vector<10240x32xf32> to vector<1x10240x32xf32>
    tpu.vector_store %arg5[%swap3A_49, %swap3A_50, %swap3A_51], %swap3A_54 {strides = array<i32>} : memref<2x10240x32xf32, #tpu.memory_space<vmem>>, vector<1x10240x32xf32>,
    %broadcast_in_dim3A_55 = arith.constant 0.000000e+00 : f32
    %broadcast_in_dim3A_56 = vector.broadcast %broadcast_in_dim3A_55 : f32 to vector<10240x32xf32>
    %swap3A_57 = arith.constant 1 : index
    %swap3A_58 = arith.constant 0 : index
    %swap3A_59 = arith.constant 0 : index
    %swap3A_60 = vector.load %arg5[%swap3A_57, %swap3A_58, %swap3A_59] : memref<2x10240x32xf32, #tpu.memory_space<vmem>>, vector<1x10240x32xf32>
    %swap3A_61 = vector.shape_cast %swap3A_60 : vector<1x10240x32xf32> to vector<10240x32xf32>
    %swap3A_62 = vector.shape_cast %broadcast_in_dim3A_56 : vector<10240x32xf32> to vector<1x10240x32xf32>
    tpu.vector_store %arg5[%swap3A_57, %swap3A_58, %swap3A_59], %swap3A_62 {strides = array<i32>} : memref<2x10240x32xf32, #tpu.memory_space<vmem>>, vector<1x10240x32xf32>,
    %swap3A_63 = arith.constant 0 : index
    %swap3A_64 = arith.constant 0 : index
    %swap3A_65 = vector.load %arg6[%swap3A_63, %swap3A_64] : memref<10000x1xf32, #tpu.memory_space<vmem>>, vector<10000x1xf32>
    tpu.vector_store %arg6[%swap3A_63, %swap3A_64], %broadcast_in_dim3A {strides = array<i32>} : memref<10000x1xf32, #tpu.memory_space<vmem>>, vector<10000x1xf32>,
    %swap3A_66 = arith.constant 0 : index
    %swap3A_67 = arith.constant 0 : index
    %swap3A_68 = vector.load %arg7[%swap3A_66, %swap3A_67] : memref<10000x1xf32, #tpu.memory_space<vmem>>, vector<10000x1xf32>
    tpu.vector_store %arg7[%swap3A_66, %swap3A_67], %broadcast_in_dim3A_18 {strides = array<i32>} : memref<10000x1xf32, #tpu.memory_space<vmem>>, vector<10000x1xf32>,
    %broadcast_in_dim3A_69 = vector.broadcast %reduce_max3A_22 : f32 to vector<1x1xf32>
    %swap3A_70 = arith.constant 0 : index
    %swap3A_71 = arith.constant 0 : index
    %swap3A_72 = vector.load %arg8[%swap3A_70, %swap3A_71] : memref<1x1xf32, #tpu.memory_space<vmem>>, vector<1x1xf32>
    tpu.vector_store %arg8[%swap3A_70, %swap3A_71], %broadcast_in_dim3A_69 {strides = array<i32>} : memref<1x1xf32, #tpu.memory_space<vmem>>, vector<1x1xf32>,
    return
  }
}

module attributes {stable_mosaic.version = 14 : i64} {
  func.func @_tc_mid_body(%arg0: memref<2x10240x32xf32, #tpu.memory_space<vmem>>, %arg1: memref<1x16xf32, #tpu.memory_space<vmem>>, %arg2: memref<1x16xf32, #tpu.memory_space<vmem>>, %arg3: memref<10000x16xf32, #tpu.memory_space<vmem>>) attributes {dimension_semantics = [], scalar_prefetch = 0 : i64, scratch_operands = 0 : i64, tpu.core_type = #tpu.core_type<tc>} {
    %get3A = arith.constant 0 : index
    %get3A_0 = arith.constant 0 : index
    %get3A_1 = arith.constant 0 : index
    %get3A_2 = vector.load %arg0[%get3A, %get3A_0, %get3A_1] : memref<2x10240x32xf32, #tpu.memory_space<vmem>>, vector<1x10000x32xf32>
    %get3A_3 = vector.shape_cast %get3A_2 : vector<1x10000x32xf32> to vector<10000x32xf32>
    %get3A_4 = arith.constant 1 : index
    %get3A_5 = arith.constant 0 : index
    %get3A_6 = arith.constant 0 : index
    %get3A_7 = vector.load %arg0[%get3A_4, %get3A_5, %get3A_6] : memref<2x10240x32xf32, #tpu.memory_space<vmem>>, vector<1x10000x32xf32>
    %get3A_8 = vector.shape_cast %get3A_7 : vector<1x10000x32xf32> to vector<10000x32xf32>
    %add3A = arith.addf %get3A_3, %get3A_8 : vector<10000x32xf32>
    %slice3A = vector.extract_strided_slice %add3A {offsets = [0, 0], sizes = [10000, 16], strides = [1, 1]} : vector<10000x32xf32> to vector<10000x16xf32>
    %slice3A_9 = vector.extract_strided_slice %add3A {offsets = [0, 16], sizes = [10000, 1], strides = [1, 1]} : vector<10000x32xf32> to vector<10000x1xf32>
    %div3A = vector.broadcast %slice3A_9 : vector<10000x1xf32> to vector<10000x16xf32>
    %div3A_10 = arith.divf %slice3A, %div3A : vector<10000x16xf32>
    %get3A_11 = arith.constant 0 : index
    %get3A_12 = arith.constant 0 : index
    %get3A_13 = vector.load %arg1[%get3A_11, %get3A_12] : memref<1x16xf32, #tpu.memory_space<vmem>>, vector<1x16xf32>
    %add3A_14 = vector.broadcast %get3A_13 : vector<1x16xf32> to vector<10000x16xf32>
    %add3A_15 = arith.addf %div3A_10, %add3A_14 : vector<10000x16xf32>
    %max3A = arith.constant 0.000000e+00 : f32
    %max3A_16 = vector.broadcast %max3A : f32 to vector<10000x16xf32>
    %max3A_17 = arith.maximumf %add3A_15, %max3A_16 : vector<10000x16xf32>
    %swap3A = arith.constant 0 : index
    %swap3A_18 = arith.constant 0 : index
    %swap3A_19 = vector.load %arg3[%swap3A, %swap3A_18] : memref<10000x16xf32, #tpu.memory_space<vmem>>, vector<10000x16xf32>
    tpu.vector_store %arg3[%swap3A, %swap3A_18], %max3A_17 {strides = array<i32>} : memref<10000x16xf32, #tpu.memory_space<vmem>>, vector<10000x16xf32>,
    return
  }
}

module attributes {stable_mosaic.version = 14 : i64} {
  func.func @_tc_pre_body(%arg0: memref<10000x16xf32, #tpu.memory_space<vmem>>, %arg1: memref<16x40xf32, #tpu.memory_space<vmem>>, %arg2: memref<1x40xf32, #tpu.memory_space<vmem>>, %arg3: memref<1x40xf32, #tpu.memory_space<vmem>>, %arg4: memref<10240x48xf32, #tpu.memory_space<vmem>>, %arg5: memref<2x10240x48xf32, #tpu.memory_space<vmem>>, %arg6: memref<10000x1xf32, #tpu.memory_space<vmem>>, %arg7: memref<10000x1xf32, #tpu.memory_space<vmem>>, %arg8: memref<1x1xf32, #tpu.memory_space<vmem>>) attributes {dimension_semantics = [], scalar_prefetch = 0 : i64, scratch_operands = 0 : i64, tpu.core_type = #tpu.core_type<tc>} {
    %get3A = arith.constant 0 : index
    %get3A_0 = arith.constant 0 : index
    %get3A_1 = vector.load %arg0[%get3A, %get3A_0] : memref<10000x16xf32, #tpu.memory_space<vmem>>, vector<10000x16xf32>
    %get3A_2 = arith.constant 0 : index
    %get3A_3 = arith.constant 0 : index
    %get3A_4 = vector.load %arg1[%get3A_2, %get3A_3] : memref<16x40xf32, #tpu.memory_space<vmem>>, vector<16x40xf32>
    %dot_general3A = arith.constant dense<0.000000e+00> : vector<10000x40xf32>
    %dot_general3A_5 = tpu.matmul %get3A_1, %get3A_4, %dot_general3A {dimension_numbers = #tpu.dot_dimension_numbers<[1], [0], [0], [1], [0, 0, 1, 1], [], []>, transpose_lhs_hint = false} : vector<10000x16xf32>, vector<16x40xf32>, vector<10000x40xf32> -> vector<10000x40xf32>
    %get3A_6 = arith.constant 0 : index
    %get3A_7 = arith.constant 0 : index
    %get3A_8 = vector.load %arg2[%get3A_6, %get3A_7] : memref<1x40xf32, #tpu.memory_space<vmem>>, vector<1x40xf32>
    %mul3A = vector.broadcast %get3A_8 : vector<1x40xf32> to vector<10000x40xf32>
    %mul3A_9 = arith.mulf %dot_general3A_5, %mul3A : vector<10000x40xf32>
    %reduce_sum3A = arith.constant dense<0.000000e+00> : vector<10000xf32>
    %reduce_sum3A_10 = vector.multi_reduction <add>, %mul3A_9, %reduce_sum3A [1] : vector<10000x40xf32> to vector<10000xf32>
    %broadcast_in_dim3A = vector.shape_cast %reduce_sum3A_10 : vector<10000xf32> to vector<10000x1xf32>
    %get3A_11 = arith.constant 0 : index
    %get3A_12 = arith.constant 0 : index
    %get3A_13 = vector.load %arg3[%get3A_11, %get3A_12] : memref<1x40xf32, #tpu.memory_space<vmem>>, vector<1x40xf32>
    %mul3A_14 = vector.broadcast %get3A_13 : vector<1x40xf32> to vector<10000x40xf32>
    %mul3A_15 = arith.mulf %dot_general3A_5, %mul3A_14 : vector<10000x40xf32>
    %reduce_sum3A_16 = arith.constant dense<0.000000e+00> : vector<10000xf32>
    %reduce_sum3A_17 = vector.multi_reduction <add>, %mul3A_15, %reduce_sum3A_16 [1] : vector<10000x40xf32> to vector<10000xf32>
    %broadcast_in_dim3A_18 = vector.shape_cast %reduce_sum3A_17 : vector<10000xf32> to vector<10000x1xf32>
    %reduce_max3A = vector.shape_cast %broadcast_in_dim3A : vector<10000x1xf32> to vector<1x10000x1xf32>
    %reduce_max3A_19 = arith.constant dense<0xFF800000> : vector<1xf32>
    %reduce_max3A_20 = vector.multi_reduction <maximumf>, %reduce_max3A, %reduce_max3A_19 [1, 2] : vector<1x10000x1xf32> to vector<1xf32>
    %reduce_max3A_21 = vector.shape_cast %reduce_max3A_20 : vector<1xf32> to vector<1x1x1xf32>
    %reduce_max3A_22 = vector.extract %reduce_max3A_21[0, 0, 0] : f32 from vector<1x1x1xf32>
    %add3A = arith.addf %broadcast_in_dim3A, %broadcast_in_dim3A_18 : vector<10000x1xf32>
    %add3A_23 = vector.broadcast %reduce_max3A_22 : f32 to vector<10000x1xf32>
    %add3A_24 = arith.addf %add3A_23, %broadcast_in_dim3A_18 : vector<10000x1xf32>
    %gt3A = arith.constant 0.000000e+00 : f32
    %gt3A_25 = vector.broadcast %gt3A : f32 to vector<10000x1xf32>
    %gt3A_26 = arith.cmpf ogt, %add3A_24, %gt3A_25 : vector<10000x1xf32>
    %mul3A_27 = arith.constant 2.000000e-01 : f32
    %mul3A_28 = vector.broadcast %mul3A_27 : f32 to vector<10000x1xf32>
    %mul3A_29 = arith.mulf %mul3A_28, %add3A_24 : vector<10000x1xf32>
    %select_n3A = arith.select %gt3A_26, %add3A_24, %mul3A_29 : vector<10000x1xi1>, vector<10000x1xf32>
    %gt3A_30 = arith.constant 0.000000e+00 : f32
    %gt3A_31 = vector.broadcast %gt3A_30 : f32 to vector<10000x1xf32>
    %gt3A_32 = arith.cmpf ogt, %add3A, %gt3A_31 : vector<10000x1xf32>
    %mul3A_33 = arith.constant 2.000000e-01 : f32
    %mul3A_34 = vector.broadcast %mul3A_33 : f32 to vector<10000x1xf32>
    %mul3A_35 = arith.mulf %mul3A_34, %add3A : vector<10000x1xf32>
    %select_n3A_36 = arith.select %gt3A_32, %add3A, %mul3A_35 : vector<10000x1xi1>, vector<10000x1xf32>
    %sub3A = arith.subf %select_n3A_36, %select_n3A : vector<10000x1xf32>
    %exp3A = math.exp %sub3A : vector<10000x1xf32>
    %broadcast_in_dim3A_37 = arith.constant 1.000000e+00 : f32
    %broadcast_in_dim3A_38 = vector.broadcast %broadcast_in_dim3A_37 : f32 to vector<10000x1xf32>
    %broadcast_in_dim3A_39 = arith.constant 0.000000e+00 : f32
    %broadcast_in_dim3A_40 = vector.broadcast %broadcast_in_dim3A_39 : f32 to vector<10000x7xf32>
    %concatenate3A = tpu.concatenate %dot_general3A_5, %broadcast_in_dim3A_38, %broadcast_in_dim3A_40 in 1 : vector<10000x40xf32>, vector<10000x1xf32>, vector<10000x7xf32> -> vector<10000x48xf32>
    %broadcast_in_dim3A_41 = arith.constant 0.000000e+00 : f32
    %broadcast_in_dim3A_42 = vector.broadcast %broadcast_in_dim3A_41 : f32 to vector<240x48xf32>
    %concatenate3A_43 = tpu.concatenate %concatenate3A, %broadcast_in_dim3A_42 in 0 : vector<10000x48xf32>, vector<240x48xf32> -> vector<10240x48xf32>
    %swap3A = arith.constant 0 : index
    %swap3A_44 = arith.constant 0 : index
    %swap3A_45 = vector.load %arg4[%swap3A, %swap3A_44] : memref<10240x48xf32, #tpu.memory_space<vmem>>, vector<10240x48xf32>
    tpu.vector_store %arg4[%swap3A, %swap3A_44], %concatenate3A_43 {strides = array<i32>} : memref<10240x48xf32, #tpu.memory_space<vmem>>, vector<10240x48xf32>,
    %mul3A_46 = vector.broadcast %exp3A : vector<10000x1xf32> to vector<10000x48xf32>
    %mul3A_47 = arith.mulf %mul3A_46, %concatenate3A : vector<10000x48xf32>
    %concatenate3A_48 = tpu.concatenate %mul3A_47, %broadcast_in_dim3A_42 in 0 : vector<10000x48xf32>, vector<240x48xf32> -> vector<10240x48xf32>
    %swap3A_49 = arith.constant 0 : index
    %swap3A_50 = arith.constant 0 : index
    %swap3A_51 = arith.constant 0 : index
    %swap3A_52 = vector.load %arg5[%swap3A_49, %swap3A_50, %swap3A_51] : memref<2x10240x48xf32, #tpu.memory_space<vmem>>, vector<1x10240x48xf32>
    %swap3A_53 = vector.shape_cast %swap3A_52 : vector<1x10240x48xf32> to vector<10240x48xf32>
    %swap3A_54 = vector.shape_cast %concatenate3A_48 : vector<10240x48xf32> to vector<1x10240x48xf32>
    tpu.vector_store %arg5[%swap3A_49, %swap3A_50, %swap3A_51], %swap3A_54 {strides = array<i32>} : memref<2x10240x48xf32, #tpu.memory_space<vmem>>, vector<1x10240x48xf32>,
    %broadcast_in_dim3A_55 = arith.constant 0.000000e+00 : f32
    %broadcast_in_dim3A_56 = vector.broadcast %broadcast_in_dim3A_55 : f32 to vector<10240x48xf32>
    %swap3A_57 = arith.constant 1 : index
    %swap3A_58 = arith.constant 0 : index
    %swap3A_59 = arith.constant 0 : index
    %swap3A_60 = vector.load %arg5[%swap3A_57, %swap3A_58, %swap3A_59] : memref<2x10240x48xf32, #tpu.memory_space<vmem>>, vector<1x10240x48xf32>
    %swap3A_61 = vector.shape_cast %swap3A_60 : vector<1x10240x48xf32> to vector<10240x48xf32>
    %swap3A_62 = vector.shape_cast %broadcast_in_dim3A_56 : vector<10240x48xf32> to vector<1x10240x48xf32>
    tpu.vector_store %arg5[%swap3A_57, %swap3A_58, %swap3A_59], %swap3A_62 {strides = array<i32>} : memref<2x10240x48xf32, #tpu.memory_space<vmem>>, vector<1x10240x48xf32>,
    %swap3A_63 = arith.constant 0 : index
    %swap3A_64 = arith.constant 0 : index
    %swap3A_65 = vector.load %arg6[%swap3A_63, %swap3A_64] : memref<10000x1xf32, #tpu.memory_space<vmem>>, vector<10000x1xf32>
    tpu.vector_store %arg6[%swap3A_63, %swap3A_64], %broadcast_in_dim3A {strides = array<i32>} : memref<10000x1xf32, #tpu.memory_space<vmem>>, vector<10000x1xf32>,
    %swap3A_66 = arith.constant 0 : index
    %swap3A_67 = arith.constant 0 : index
    %swap3A_68 = vector.load %arg7[%swap3A_66, %swap3A_67] : memref<10000x1xf32, #tpu.memory_space<vmem>>, vector<10000x1xf32>
    tpu.vector_store %arg7[%swap3A_66, %swap3A_67], %broadcast_in_dim3A_18 {strides = array<i32>} : memref<10000x1xf32, #tpu.memory_space<vmem>>, vector<10000x1xf32>,
    %broadcast_in_dim3A_69 = vector.broadcast %reduce_max3A_22 : f32 to vector<1x1xf32>
    %swap3A_70 = arith.constant 0 : index
    %swap3A_71 = arith.constant 0 : index
    %swap3A_72 = vector.load %arg8[%swap3A_70, %swap3A_71] : memref<1x1xf32, #tpu.memory_space<vmem>>, vector<1x1xf32>
    tpu.vector_store %arg8[%swap3A_70, %swap3A_71], %broadcast_in_dim3A_69 {strides = array<i32>} : memref<1x1xf32, #tpu.memory_space<vmem>>, vector<1x1xf32>,
    return
  }
}

module attributes {stable_mosaic.version = 14 : i64} {
  func.func @_tc_post_body(%arg0: memref<2x10240x48xf32, #tpu.memory_space<vmem>>, %arg1: memref<1x40xf32, #tpu.memory_space<vmem>>, %arg2: memref<1x40xf32, #tpu.memory_space<vmem>>, %arg3: memref<10000x40xf32, #tpu.memory_space<vmem>>) attributes {dimension_semantics = [], scalar_prefetch = 0 : i64, scratch_operands = 0 : i64, tpu.core_type = #tpu.core_type<tc>} {
    %get3A = arith.constant 0 : index
    %get3A_0 = arith.constant 0 : index
    %get3A_1 = arith.constant 0 : index
    %get3A_2 = vector.load %arg0[%get3A, %get3A_0, %get3A_1] : memref<2x10240x48xf32, #tpu.memory_space<vmem>>, vector<1x10000x48xf32>
    %get3A_3 = vector.shape_cast %get3A_2 : vector<1x10000x48xf32> to vector<10000x48xf32>
    %get3A_4 = arith.constant 1 : index
    %get3A_5 = arith.constant 0 : index
    %get3A_6 = arith.constant 0 : index
    %get3A_7 = vector.load %arg0[%get3A_4, %get3A_5, %get3A_6] : memref<2x10240x48xf32, #tpu.memory_space<vmem>>, vector<1x10000x48xf32>
    %get3A_8 = vector.shape_cast %get3A_7 : vector<1x10000x48xf32> to vector<10000x48xf32>
    %add3A = arith.addf %get3A_3, %get3A_8 : vector<10000x48xf32>
    %slice3A = vector.extract_strided_slice %add3A {offsets = [0, 0], sizes = [10000, 40], strides = [1, 1]} : vector<10000x48xf32> to vector<10000x40xf32>
    %slice3A_9 = vector.extract_strided_slice %add3A {offsets = [0, 40], sizes = [10000, 1], strides = [1, 1]} : vector<10000x48xf32> to vector<10000x1xf32>
    %div3A = vector.broadcast %slice3A_9 : vector<10000x1xf32> to vector<10000x40xf32>
    %div3A_10 = arith.divf %slice3A, %div3A : vector<10000x40xf32>
    %get3A_11 = arith.constant 0 : index
    %get3A_12 = arith.constant 0 : index
    %get3A_13 = vector.load %arg1[%get3A_11, %get3A_12] : memref<1x40xf32, #tpu.memory_space<vmem>>, vector<1x40xf32>
    %add3A_14 = vector.broadcast %get3A_13 : vector<1x40xf32> to vector<10000x40xf32>
    %add3A_15 = arith.addf %div3A_10, %add3A_14 : vector<10000x40xf32>
    %swap3A = arith.constant 0 : index
    %swap3A_16 = arith.constant 0 : index
    %swap3A_17 = vector.load %arg3[%swap3A, %swap3A_16] : memref<10000x40xf32, #tpu.memory_space<vmem>>, vector<10000x40xf32>
    tpu.vector_store %arg3[%swap3A, %swap3A_16], %add3A_15 {strides = array<i32>} : memref<10000x40xf32, #tpu.memory_space<vmem>>, vector<10000x40xf32>,
    return
  }
}

</mosaic_0001>

<sc_bundles>
// kernel: kernel.11.cloned.1.call-start
scs
__scs_entry_jumppad:
0x0: {  	(pc) =	sbr.rel $0x88, $3  }
0x1: {  	(tag) =	ssettag $0x0;
	lr =	simm.s32 $0x1  }
0x2: {  	[smem:$0x3F97] =	sst lr;
	_ =	strace $0xD0000000  }
0x3: {  	_ = 	snop  }
0x4: {  	_ = 	snop  }
0x5: {  	_ = 	snop  }
0x6: {  	_ = 	snop  }
0x7: {  	_ = 	snop  }
__scs_overlays_trampoline_lowered:
0x8: {  	[smem:$0x3FA6] =	sst s0  }
0x9: {  	[smem:$0x3FA7] =	sst s1  }
0xa: {  	[smem:$0x3FA8] =	sst s2  }
0xb: {  	[smem:$0x3FA9] =	sst s3  }
0xc: {  	[smem:$0x3FAA] =	sst s4  }
0xd: {  	[smem:$0x3FAB] =	sst s5  }
0xe: {  	[smem:$0x3FAC] =	sst s6  }
0xf: {  	[smem:$0x3FAD] =	sst s7  }
0x10: {  	[smem:$0x3FAE] =	sst s8  }
0x11: {  	[smem:$0x3FAF] =	sst s9;
	s0 =	simm.s32 @!p0 $0x0  }
0x12: {  	s1 =	sld [smem:$0x3F95];
	s0 =	simm.s32 @p0 $0x1  }
0x13: {  	[smem:$0x3FB0] =	sst s0;
	s0 =	simm.s32 @!p1 $0x0  }
0x14: {  	s2 =	sld [smem:$0x3F94];
	s0 =	simm.s32 @p1 $0x1  }
0x15: {  	[smem:$0x3FB1] =	sst s0;
	s0 =	simm.s32 @!p2 $0x0  }
0x16: {  	s3 =	sld [smem:$0x3FDB];
	s0 =	simm.s32 @p2 $0x1  }
0x17: {  	s4 =	simm.s32 $0x1BF5;
	[smem:$0x3FB3] =	sst s0  }
0x18: {  	s0 =	sld [smem:$0x3F96];
	_ =	swait.ge [sflag:s4], $0x0  }
0x19: {  	s7 =	sld [smem:$0x3F97]  }
0x1a: {  	s8 =	sadd.s32 $0xFFFFE003, lr  }
0x1b: {  	s9 =	sadd.s32 $0xFFFFFEF7, lr;
	s5 =	simm.s32 $0xFFFFFFFF;
	p2 =	slt.u32 s8, $0xFFFFF086  }
0x1c: {  	p1 =	slt.u32 s9, $0xF7A;
	s5 =	simm.s32 @!p2 $0x0  }
0x1d: {  	s5 =	simm.s32 @p1 $0x1;
	p0 =	seq.s32 s7, s2  }
0x1e: {  	s7 =	smul.u32 @!p0 $0xF7A, s2;
	p2 =	seq.s32 @!p0 s5, $0x0  }
0x1f: {  	s9 =	smul.u32 $0xF7A, s1;
	s8 =	simm.s32 @!p0 $0x1BF5;
	p2 =	por !p2, p0  }
0x20: {  	[sflag:s8] =	ssyncset.s32 @!p0 $0xFFFFF086;
	s6 =	sadd.s32 @!p0 s3, s7;
	s7 =	simm.s32 @!p0 $0x108  }
0x21: {  	s3 =	sadd.s32 s3, s9;
	s6 =	sadd.s32 @!p0 $0x88, s6;
	s7 =	simm.s32 @p2 $0x1082  }
0x22: {  	[simem:s7], [sflag:s8] =	dma.local @!p0 [hbm:s6], $0xF7A  }
0x23: {  	s9 =	sor.u32 $0xD0000000, s2;
	s6 =	simm.s32 $0x108;
	_ =	swait.ge @!p0 [sflag:s8], $0x0  }
0x24: {  	s3 =	sadd.s32 $0x88, s3;
	s6 =	simm.s32 @!p1 $0x1082;
	[sflag:s4] =	ssyncset.s32 $0xFFFFF086  }
0x25: {  	[simem:s6], [sflag:s4] =	dma.local [hbm:s3], $0xF7A  }
0x26: {  	[smem:$0x3F97] =	sst s1;
	(tag) =	ssettag s2;
	_ =	strace s9  }
0x27: {  	s1 =	sld [smem:$0x3FA7]  }
0x28: {  	s2 =	sld [smem:$0x3FA8]  }
0x29: {  	s4 =	sld [smem:$0x3FAA]  }
0x2a: {  	p0 =	seq.s32 s5, $0x0;
	s5 =	sld [smem:$0x3FAB]  }
0x2b: {  	s6 =	sld [smem:$0x3FAC]  }
0x2c: {  	s7 =	sld [smem:$0x3FAD]  }
0x2d: {  	s3 =	simm.s32 $0x108;
	s8 =	sld [smem:$0x3FAE]  }
0x2e: {  	s3 =	simm.s32 @!p0 $0x1082;
	s9 =	sld [smem:$0x3FAF]  }
0x2f: {  	lr =	sadd.s32 s0, s3;
	s0 =	sld [smem:$0x3FA6]  }
0x30: {  	s3 =	sld [smem:$0x3FA9]  }
0x31: {  	[smem:$0x3FB2] =	sst s10  }
0x32: {  	s10 =	sld [smem:$0x3FB0];
	_ =	sdelay $0x3  }
0x33: {  	p0 =	seq.s32 s10, $0x1;
	s10 =	sld [smem:$0x3FB2];
	_ =	sdelay $0x3  }
0x34: {  	[smem:$0x3FB2] =	sst s10  }
0x35: {  	s10 =	sld [smem:$0x3FB1];
	_ =	sdelay $0x3  }
0x36: {  	p1 =	seq.s32 s10, $0x1;
	s10 =	sld [smem:$0x3FB2];
	_ =	sdelay $0x3  }
0x37: {  	[smem:$0x3FB2] =	sst s10  }
0x38: {  	s10 =	sld [smem:$0x3FB3]  }
0x39: {  	_ = 	snop;
	(pc) =	sbr.ind lr, $3  }
0x3a: {  	_ = 	snop  }
0x3b: {  	_ = 	snop  }
0x3c: {  	p2 =	seq.s32 s10, $0x1;
	s10 =	sld [smem:$0x3FB2]  }
0x3d: {  	_ =	shalt  }
0x3e: {  	_ =	shalt  }
0x3f: {  	_ =	shalt  }
0x40: {  	_ =	shalt  }
0x41: {  	_ =	shalt  }
0x42: {  	_ =	shalt  }
0x43: {  	_ =	shalt  }
0x44: {  	_ =	shalt  }
0x45: {  	_ =	shalt  }
0x46: {  	_ =	shalt  }
0x47: {  	_ =	shalt  }
0x48: {  	_ =	shalt  }
0x49: {  	_ =	shalt  }
0x4a: {  	_ =	shalt  }
0x4b: {  	_ =	shalt  }
0x4c: {  	_ =	shalt  }
0x4d: {  	_ =	shalt  }
0x4e: {  	_ =	shalt  }
0x4f: {  	_ =	shalt  }
0x50: {  	_ =	shalt  }
0x51: {  	_ =	shalt  }
0x52: {  	_ =	shalt  }
0x53: {  	_ =	shalt  }
0x54: {  	_ =	shalt  }
0x55: {  	_ =	shalt  }
0x56: {  	_ =	shalt  }
0x57: {  	_ =	shalt  }
0x58: {  	_ =	shalt  }
0x59: {  	_ =	shalt  }
0x5a: {  	_ =	shalt  }
0x5b: {  	_ =	shalt  }
0x5c: {  	_ =	shalt  }
0x5d: {  	_ =	shalt  }
0x5e: {  	_ =	shalt  }
0x5f: {  	_ =	shalt  }
0x60: {  	_ =	shalt  }
0x61: {  	_ =	shalt  }
0x62: {  	_ =	shalt  }
0x63: {  	_ =	shalt  }
0x64: {  	_ =	shalt  }
0x65: {  	_ =	shalt  }
0x66: {  	_ =	shalt  }
0x67: {  	_ =	shalt  }
0x68: {  	_ =	shalt  }
0x69: {  	_ =	shalt  }
0x6a: {  	_ =	shalt  }
0x6b: {  	_ =	shalt  }
0x6c: {  	_ =	shalt  }
0x6d: {  	_ =	shalt  }
0x6e: {  	_ =	shalt  }
0x6f: {  	_ =	shalt  }
0x70: {  	_ =	shalt  }
0x71: {  	_ =	shalt  }
0x72: {  	_ =	shalt  }
0x73: {  	_ =	shalt  }
0x74: {  	_ =	shalt  }
0x75: {  	_ =	shalt  }
0x76: {  	_ =	shalt  }
0x77: {  	_ =	shalt  }
0x78: {  	_ =	shalt  }
0x79: {  	_ =	shalt  }
0x7a: {  	_ =	shalt  }
0x7b: {  	_ =	shalt  }
0x7c: {  	_ =	shalt  }
0x7d: {  	_ =	shalt  }
0x7e: {  	_ =	shalt  }
0x7f: {  	_ =	shalt  }
0x80: {  	_ =	shalt  }
0x81: {  	_ =	shalt  }
0x82: {  	_ =	shalt  }
0x83: {  	_ =	shalt  }
0x84: {  	_ =	shalt  }
0x85: {  	_ =	shalt  }
0x86: {  	_ =	shalt  }
0x87: {  	_ =	shalt  }
.Lfunc_end0:
.L_simem_size_0:
called_computation.1_lowered:
.L_overlay_start_0:
0x88: {  	s2 =	sld [smem:$0x3FD9]  }
0x89: {  	s3 =	sld [smem:$0x3FFE];
	_ =	sdelay $0x1  }
0x8a: {  	s1 =	srdreg.scid  }
0x8b: {  	s0 =	sand.u32 $0x1, s1  }
0x8c: {  	s17 =	sshll.u32 s0, $0xA;
	s2 =	sadd.s32 s3, s2  }
0x8d: {  	s2 =	sadd.s32 s2, s17  }
0x8e: {  	[smem:$0x3FBE] =	sst s2  }
0x8f: {  	_ = 	snop  }
0x90: {  	s2 =	sld [smem:$0x3FD0];
	(tm) =	ssettm $0x1  }
0x91: {  	s18 =	sld [smem:$0x3FFB];
	_ =	sdelay $0x3  }
0x92: {  	_ =	strace s18  }
0x93: {  	s3 =	sld [smem:$0x3FFC];
	_ =	sdelay $0x3  }
0x94: {  	_ =	strace s3  }
0x95: {  	s3 =	sld [smem:$0x3FFD];
	_ =	sdelay $0x3  }
0x96: {  	_ =	strace s3  }
0x97: {  	_ =	strace $0x8FFFFFFF  }
0x98: {  	s19 =	sld [smem:$0x3FDB];
	_ =	sdelay $0x1  }
0x99: {  	s4 =	simm.s32 $_scs_section_size  }
0x9a: {  	s5 =	simm.s32 $_size__tile_overlayer_lowered;
	s6 =	simm.s32 $_tile_overlayer_lowered  }
0x9b: {  	s22 =	simm.s32 $0x1BFF;
	s21 =	sshll.u32 s6, $0x1;
	s3 =	sadd.s32 s4, s19  }
0x9c: {  	s7 =	simm.s32 $0x0;
	s20 =	sshll.u32 s5, $0x1;
	s5 =	sadd.s32 s21, s3  }
0x9d: {  	[timem:s7], [sflag:s22] =	dma.local [hbm:s5], s20  }
0x9e: {  	_ =	swait.ge [sflag:s22], s20  }
0x9f: {  	s4 =	ssub.s32 $0x0, s20;
	[sflag:s22] =	ssyncset.done $0x0  }
0xa0: {  	[sflag:s22] =	ssyncadd.s32 s4;
	_ =	sdelay $0x1  }
0xa1: {  	s23 =	simm.s32 $0x1B8B  }
0xa2: {  	_ =	swait.ge [sflag:s23], $0x1  }
0xa3: {  	[sflag:s23] =	ssyncset.done $0x0  }
0xa4: {  	s25 =	simm.s32 $0x1B8E;
	s24 =	sld [smem:$0x3FFE];
	[sflag:s23] =	ssyncadd.s32 $0xFFFFFFFF  }
0xa5: {  	s26 =	simm.s32 $execute0_lowered;
	[smem:$0x3FD2] =	sst s25  }
0xa6: {  	s5 =	sshll.u32 s26, $0x1;
	_ =	strace $0x80000049;
	[dreg:$0x1] =	wrdreg $0xFFFFFFFF  }
0xa7: {  	s28 =	simm.s32 $_size_execute0_lowered;
	s3 =	sadd.s32 s3, s5;
	[dreg:$0x0] =	wrdreg $0x0  }
0xa8: {  	s5 =	sshll.u32 s28, $0x1;
	[dreg:$0x2] =	wrdreg s3  }
0xa9: {  	[dreg:$0x3] =	wrdreg s5  }
0xaa: {  	[dreg:$0x4] =	wrdreg $0xC0  }
0xab: {  	_ =	task [dreg:s7], $0x5FFFF  }
0xac: {  	[dreg:$0x1] =	wrdreg $0xFFFFFFFF  }
0xad: {  	[dreg:$0x0] =	wrdreg $0x60  }
0xae: {  	[dreg:$0x2] =	wrdreg s24  }
0xaf: {  	[dreg:$0x3] =	wrdreg s2  }
0xb0: {  	[dreg:$0x4] =	wrdreg $0x5EF00  }
0xb1: {  	[dreg:$0x5] =	wrdreg $0x9  }
0xb2: {  	_ =	task.clear_ibuf [dreg:s7], $0x6FFFF;
	_ =	strace $0x90000049  }
0xb3: {  	s29 =	simm.s32 $0x9;
	_ =	strace $0x8000004B  }
0xb4: {  	_ =	swait.ge [sflag:s29], $0x1  }
0xb5: {  	[sflag:s29] =	ssyncadd.s32 $0xFFFFFFFF  }
0xb6: {  	_ =	strace $0x9000004B  }
0xb7: {  	_ =	sfence  }
0xb8: {  	s30 =	sld [smem:$0x0];
	_ =	sdelay $0x2  }
0xb9: {  	s31 =	sshll.u32 s1, $0xD;
	s1 =	sshrl.u32 s1, $0x2  }
0xba: {  	s3 =	sand.u32 $0x4000, s31;
	s1 =	sadd.s32 s1, s30  }
0xbb: {  	s0 =	sor.u32 s3, s0;
	s1 =	sshll.u32 s1, $0x11  }
0xbc: {  	s0 =	sor.u32 s1, s0  }
0xbd: {  	s0 =	sadd.s32 $0x8F2B, s0  }
0xbe: {  	[sflag:s0] =	ssyncadd.remote.s32 $0x1  }
0xbf: {  	_ =	sfence.sel $0xFFFF  }
0xc0: {  	[dreg:$0x0] =	wrdreg $0xFFFFFFFF;
	(pc) =	sbr.abs _section_cstart, $3  }
0xc1: {  	[dreg:$0x1] =	wrdreg $0xFFFFFFFF  }
0xc2: {  	_ =	task.clear_ibuf [dreg:s7], $0x2FFFF;
	_ =	strace $0x9FFFFFFF  }
0xc3: {  	(tm) =	ssettm $0x7FFFFFFF  }
tec
execute0_lowered:
.L_overlay_start_1:
0x0: {  	(tag) =	ssettag $0x1  }
0x1: {  	s1 =	rddreg [dreg:$0x0]  }
0x2: {  	s3 =	rddreg [dreg:$0x1]  }
0x3: {  	s4 =	rddreg [dreg:$0x2]  }
0x4: {  	s0 =	rddreg [dreg:$0x3]  }
0x5: {  	s6 =	srdreg.scid;
	s2 =	stileid.u32;
	s5 =	simm.s32 $0x0  }
0x6: {  	s16 =	simm.s32 $0x2780;
	s17 =	simm.s32 $0x4F00;
	s18 =	simm.s32 $0x4F50  }
0x7: {  	s19 =	simm.s32 $0x50;
	s20 =	simm.s32 $0x4FA0;
	s21 =	simm.s32 $0x1  }
0x8: {  	s22 =	simm.s32 $0x5EA0;
	s23 =	simm.s32 $0x0;
	s9 =	sand.u32 $0x1, s6  }
0x9: {  	s10 =	smul.u32 $0x7800, s2;
	[smem:$0x7FF] =	sst s5;
	s6 =	sadd.s32 $0x13C00, s1  }
0xa: {  	s7 =	sadd.s32 $0x22C00, s1;
	s31 =	sshll.u32 s2, $0x6;
	s8 =	smul.u32 $0x78000, s9  }
0xb: {  	_ =	strace $0x8000004A;
	s12 =	ssub.s32 $0x2, s9;
	s9 =	sshll.u32 s9, $0x4  }
0xc: {  	s13 =	sshrl.u32 s12, $0x1;
	s15 =	sadd.s32 s10, s4;
	s11 =	sadd.s32 s10, s8  }
0xd: {  	s30 =	sor.u32 s2, s9;
	s8 =	sadd.s32 $0x9E00, s1;
	s11 =	sshrl.u32 s11, $0x3  }
0xe: {  	s13 =	ssub.s32 s12, s13;
	s10 =	sor.u32 $0x1C02, s31;
	s14 =	sadd.s32 s11, s1  }
0xf: {  	s13 =	smax.u32 s13, $0x1;
	s11 =	smul.u32 $0x2710, s30;
	s9 =	sadd.s32 $0x63C00, s14  }
0x10: {  	s12 =	sadd.s32 $0x23200, s14;
	s14 =	sshrl.u32 s15, $0x3;
	s15 =	simm.s32 $0x2  }
.LBB2_1:
0x11: {  	[spmem:s14], [sflag:s10] =	dma.local [hbm:s9], $0xF00  }
0x12: {  	_ =	swait.ge [sflag:s15], $0xF00  }
0x13: {  	[sflag:s15] =	ssyncset.done $0x0  }
0x14: {  	[sflag:s15] =	ssyncadd.s32 $0xFFFFF100  }
0x15: {  	[tilespmem:s5], [sflag:$0x2] =	stream.linear.gather [hbm4b:s3+s5], $0x2780, $0x38;
	[tilespmem:$0xD6F0] =	vst v63  }
0x16: {  	_ =	swait.ge [sflag:s15], $0x2780  }
0x17: {  	[sflag:s15] =	ssyncset.done $0x0  }
0x18: {  	[sflag:s15] =	ssyncadd.s32 $0xFFFFD880  }
0x19: {  	[tilespmem:s16], [sflag:$0x2] =	stream.linear.gather [hbm4b:s7+s5], $0x2780, $0x38;
	[tilespmem:$0xD6F0] =	vst v63  }
0x1a: {  	_ =	swait.ge [sflag:s15], $0x2780  }
0x1b: {  	[sflag:s15] =	ssyncset.done $0x0  }
0x1c: {  	[sflag:s15] =	ssyncadd.s32 $0xFFFFD880  }
0x1d: {  	s24 =	simm.s32 $0x0;
	[bflag:$0x0] =	sbarrier.arrive $0xFFFF  }
.LBB2_2:
0x1e: {  	s25 =	smul.u32 $0x50, s24;
	_ =	sdelay $0x1  }
0x1f: {  	s25 =	sadd.s32 s11, s25  }
0x20: {  	s26 =	sshrl.u32 s25, $0x3  }
0x21: {  	s30 =	simm.s32 $0x0;
	s28 =	sadd.s32 s8, s26  }
0x22: {  	[tilespmem:s17], [sflag:$0x2] =	stream.linear.gather [hbm4b:s28+s30], $0x50, $0x38;
	[tilespmem:$0xD6F0] =	vst v63  }
0x23: {  	_ =	swait.ge [sflag:s15], $0x50  }
0x24: {  	[sflag:s15] =	ssyncset.done $0x0  }
0x25: {  	s26 =	sadd.s32 s1, s26;
	[sflag:s15] =	ssyncadd.s32 $0xFFFFFFB0  }
0x26: {  	[tilespmem:s18], [sflag:$0x2] =	stream.linear.gather [hbm4b:s26+s30], $0x50, $0x38;
	[tilespmem:$0xD6F0] =	vst v63  }
0x27: {  	_ =	swait.ge [sflag:s15], $0x50  }
0x28: {  	[sflag:s15] =	ssyncset.done $0x0  }
0x29: {  	[sflag:s15] =	ssyncadd.s32 $0xFFFFFFB0  }
0x2a: {  	[tilespmem:s20], [sflag:$0x1] =	stream.indirect.gather [hbm4b:s6+s19], $0x30, s17, s19, $0xb8;
	[tilespmem:$0xD6F0] =	vst v63  }
0x2b: {  	_ =	swait.ge [sflag:s21], $0xF00  }
0x2c: {  	[sflag:s21] =	ssyncset.done $0x0  }
0x2d: {  	[sflag:s21] =	ssyncadd.s32 $0xFFFFF100  }
0x2e: {  	v0 =	vld [tilespmem:$0x4F00]  }
0x2f: {  	v1 =	vld [tilespmem:$0x4F50];
	_ =	sdelay $0x5  }
0x30: {  	v2 =	vld [tilespmem:$0x2710]  }
0x31: {  	v0 =	vld.idx.msk [tilespmem:v0+s30+$0x0], $0xffff  }
0x32: {  	v1 =	vld.idx.msk [tilespmem:v1+s16+$0x0], $0xffff;
	_ =	sdelay $0x4  }
0x33: {  	v0 =	vadd.f32 v1, v0;
	v1 =	vadd.f32 v1, v2;
	_ =	sdelay $0x1  }
0x34: {  	v3 =	vmul.f32 $2.000000030e-01, v0;
	v4 =	vmul.f32 $2.000000030e-01, v1  }
0x35: {  	vm0 =	vgt.f32 v0, $0.0e+00;
	vm1 =	vgt.f32 v1, $0.0e+00  }
0x36: {  	v0 =	vsel vm0, v0, v3;
	v1 =	vsel vm1, v1, v4  }
0x37: {  	v0 =	vsub.f32 v0, v1;
	_ =	sdelay $0x1  }
0x38: {  	v0 =	vmul.f32 $1.442695020e+00, v0;
	_ =	sdelay $0x1  }
0x39: {  	(erf) = vpow2.f32 v0;
	_ =	sdelay $0x2  }
0x3a: {  	v0 =	vld [tilespmem:$0x4F10]  }
0x3b: {  	v1 =	vld [tilespmem:$0x4F60];
	_ =	sdelay $0x4  }
0x3c: {  	v3 =	vpop (erf)  }
0x3d: {  	[tilespmem:$0x5EA0] =	vst v3  }
0x3e: {  	v0 =	vld.idx.msk [tilespmem:v0+s30+$0x0], $0xffff  }
0x3f: {  	v1 =	vld.idx.msk [tilespmem:v1+s16+$0x0], $0xffff;
	_ =	sdelay $0x4  }
0x40: {  	v0 =	vadd.f32 v1, v0;
	v1 =	vadd.f32 v1, v2;
	_ =	sdelay $0x1  }
0x41: {  	v3 =	vmul.f32 $2.000000030e-01, v0;
	v4 =	vmul.f32 $2.000000030e-01, v1  }
0x42: {  	vm8 =	vgt.f32 v0, $0.0e+00;
	vm9 =	vgt.f32 v1, $0.0e+00  }
0x43: {  	v0 =	vsel vm8, v0, v3;
	v1 =	vsel vm9, v1, v4  }
0x44: {  	v0 =	vsub.f32 v0, v1;
	_ =	sdelay $0x1  }
0x45: {  	v0 =	vmul.f32 $1.442695020e+00, v0;
	_ =	sdelay $0x1  }
0x46: {  	(erf) = vpow2.f32 v0;
	_ =	sdelay $0x2  }
0x47: {  	v0 =	vld [tilespmem:$0x4F20]  }
0x48: {  	v1 =	vld [tilespmem:$0x4F70];
	_ =	sdelay $0x4  }
0x49: {  	v3 =	vpop (erf)  }
0x4a: {  	[tilespmem:$0x5EB0] =	vst v3  }
0x4b: {  	v0 =	vld.idx.msk [tilespmem:v0+s30+$0x0], $0xffff  }
0x4c: {  	v1 =	vld.idx.msk [tilespmem:v1+s16+$0x0], $0xffff;
	_ =	sdelay $0x4  }
0x4d: {  	v0 =	vadd.f32 v1, v0;
	v1 =	vadd.f32 v1, v2;
	_ =	sdelay $0x1  }
0x4e: {  	v3 =	vmul.f32 $2.000000030e-01, v0;
	v4 =	vmul.f32 $2.000000030e-01, v1  }
0x4f: {  	vm10 =	vgt.f32 v0, $0.0e+00;
	vm11 =	vgt.f32 v1, $0.0e+00  }
0x50: {  	v0 =	vsel vm10, v0, v3;
	v1 =	vsel vm11, v1, v4  }
0x51: {  	v0 =	vsub.f32 v0, v1;
	_ =	sdelay $0x1  }
0x52: {  	v0 =	vmul.f32 $1.442695020e+00, v0;
	_ =	sdelay $0x1  }
0x53: {  	(erf) = vpow2.f32 v0;
	_ =	sdelay $0x2  }
0x54: {  	v0 =	vld [tilespmem:$0x4F30]  }
0x55: {  	v1 =	vld [tilespmem:$0x4F80];
	_ =	sdelay $0x4  }
0x56: {  	v3 =	vpop (erf)  }
0x57: {  	[tilespmem:$0x5EC0] =	vst v3  }
0x58: {  	v0 =	vld.idx.msk [tilespmem:v0+s30+$0x0], $0xffff  }
0x59: {  	v1 =	vld.idx.msk [tilespmem:v1+s16+$0x0], $0xffff;
	_ =	sdelay $0x4  }
0x5a: {  	v0 =	vadd.f32 v1, v0;
	v1 =	vadd.f32 v1, v2;
	_ =	sdelay $0x1  }
0x5b: {  	v3 =	vmul.f32 $2.000000030e-01, v0;
	v4 =	vmul.f32 $2.000000030e-01, v1  }
0x5c: {  	vm12 =	vgt.f32 v0, $0.0e+00;
	vm13 =	vgt.f32 v1, $0.0e+00  }
0x5d: {  	v0 =	vsel vm12, v0, v3;
	v1 =	vsel vm13, v1, v4  }
0x5e: {  	v0 =	vsub.f32 v0, v1;
	_ =	sdelay $0x1  }
0x5f: {  	v0 =	vmul.f32 $1.442695020e+00, v0;
	_ =	sdelay $0x1  }
0x60: {  	(erf) = vpow2.f32 v0;
	_ =	sdelay $0x2  }
0x61: {  	v0 =	vld [tilespmem:$0x4F40]  }
0x62: {  	v1 =	vld [tilespmem:$0x4F90];
	_ =	sdelay $0x4  }
0x63: {  	v3 =	vpop (erf)  }
0x64: {  	[tilespmem:$0x5ED0] =	vst v3  }
0x65: {  	v0 =	vld.idx.msk [tilespmem:v0+s30+$0x0], $0xffff  }
0x66: {  	v1 =	vld.idx.msk [tilespmem:v1+s16+$0x0], $0xffff;
	_ =	sdelay $0x4  }
0x67: {  	v0 =	vadd.f32 v1, v0;
	v1 =	vadd.f32 v1, v2;
	_ =	sdelay $0x1  }
0x68: {  	v2 =	vmul.f32 $2.000000030e-01, v0;
	v3 =	vmul.f32 $2.000000030e-01, v1  }
0x69: {  	vm14 =	vgt.f32 v0, $0.0e+00;
	vm15 =	vgt.f32 v1, $0.0e+00  }
0x6a: {  	v0 =	vsel vm14, v0, v2;
	v1 =	vsel vm15, v1, v3  }
0x6b: {  	v0 =	vsub.f32 v0, v1;
	_ =	sdelay $0x1  }
0x6c: {  	v0 =	vmul.f32 $1.442695020e+00, v0;
	_ =	sdelay $0x1  }
0x6d: {  	(erf) = vpow2.f32 v0;
	_ =	sdelay $0x6  }
0x6e: {  	v0 =	vmov s30;
	_ =	sdelay $0x1  }
0x6f: {  	v1 =	vpop (erf)  }
0x70: {  	s25 =	simm.s32 $0x4FC0;
	[tilespmem:$0x5EE0] =	vst v1  }
0x71: {  	v3 =	vld [tilespmem:s25+$0xFFFFFFF0]  }
0x72: {  	v1 =	vld.idx.msk [tilespmem:v0+s22+$0x0], $0xffff  }
0x73: {  	v4 =	vld [tilespmem:s25+$0xFFFFFFE0]  }
0x74: {  	v2 =	vld [tilespmem:s25+$0x0];
	_ =	sdelay $0x2  }
0x75: {  	s31 =	simm.s32 $0x1  }
0x76: {  	s28 =	simm.s32 $0x2;
	s26 =	simm.s32 $0x4FC0;
	v0 =	vmov s31;
	v4 =	vmul.f32 v4, v1;
	v3 =	vmul.f32 v3, v1  }
.LBB2_3:
0x77: {  	p0 =	sne.s32 s28, $0x4F;
	v1 =	vmul.f32 v2, v1  }
0x78: {  	[tilespmem:s25+$0xFFFFFFE0] =	vst v4  }
0x79: {  	s25 =	sadd.s32 $0x30, s25;
	[tilespmem:s26+$0xFFFFFFF0] =	vst v3  }
0x7a: {  	v3 =	vld [tilespmem:s25+$0xFFFFFFF0];
	[tilespmem:s26+$0x0] =	vst v1;
	s26 =	smov.u32 s25  }
0x7b: {  	v1 =	vld.idx.msk [tilespmem:v0+s22+$0x0], $0xffff  }
0x7c: {  	v4 =	vld [tilespmem:s25+$0xFFFFFFE0]  }
.Ltmp0:
0x7d: {  	v2 =	vld [tilespmem:s25+$0x0];
	(pc) =	sbr.rel @p0 .LBB2_3-.Ltmp0, $2  }
0x7e: {  	_ =	sdelay $0x2  }
0x7f: {  	v0 =	vmov s28;
	s28 =	sadd.s32 $0x1, s28;
	v3 =	vmul.f32 v3, v1;
	v4 =	vmul.f32 v4, v1  }
0x80: {  	_ = 	snop  }
0x81: {  	v1 =	vmul.f32 v2, v1;
	[tilespmem:s25+$0xFFFFFFE0] =	vst v4  }
0x82: {  	s31 =	sadd.s32 $0x30, s25;
	[tilespmem:s26+$0xFFFFFFF0] =	vst v3  }
0x83: {  	v63 =	vld [tilespmem:s31+$0xFFFFFFF0];
	[tilespmem:s26+$0x0] =	vst v1  }
0x84: {  	v0 =	vld.idx.msk [tilespmem:v0+s22+$0x0], $0xffff  }
0x85: {  	v1 =	vld [tilespmem:s31+$0xFFFFFFE0];
	_ =	sdelay $0x1  }
0x86: {  	v3 =	vld [tilespmem:s31+$0x0];
	_ =	sdelay $0x2  }
0x87: {  	v1 =	vmul.f32 v1, v0  }
0x88: {  	v2 =	vmul.f32 v63, v0  }
0x89: {  	s24 =	sadd.s32 $0x1, s24;
	v0 =	vmul.f32 v3, v0;
	[tilespmem:s31+$0xFFFFFFE0] =	vst v1  }
0x8a: {  	p0 =	sne.s32 s24, $0x7D;
	[tilespmem:s31+$0xFFFFFFF0] =	vst v2  }
.Ltmp1:
0x8b: {  	[tilespmem:s31+$0x0] =	vst v0;
	(pc) =	sbr.rel @p0 .LBB2_2-.Ltmp1, $4  }
0x8c: {  	[spmem:s4] =	stream.indirect.scatter.add.f32 [tilespmem:s20], [sflag:$0x2], $0x30, s18, s19, $0xb8;
	[tilespmem:$0xD6F0] =	vst v63  }
0x8d: {  	_ =	swait.ge [sflag:s15], $0xF00  }
0x8e: {  	[sflag:s15] =	ssyncset.done $0x0  }
0x8f: {  	[sflag:s15] =	ssyncadd.s32 $0xFFFFF100  }
0x90: {  	s23 =	sadd.s32 $0x1, s23  }
0x91: {  	p0 =	sne.s32 s23, s13  }
.Ltmp2:
0x92: {  	[bflag:$0x0] =	sbarrier.arrive $0xFFFF;
	(pc) =	sbr.rel @p0 .LBB2_1-.Ltmp2, $4  }
0x93: {  	[hbm:s12], [sflag:s10] =	dma.local [spmem:s14], $0xF00  }
0x94: {  	_ =	swait.ge [sflag:s15], $0xF00  }
0x95: {  	[sflag:s15] =	ssyncset.done $0x0  }
0x96: {  	[sflag:s15] =	ssyncadd.s32 $0xFFFFF100  }
0x97: {  	_ =	sfence.sel $0x180000  }
0x98: {  	[bflag:$0x0] =	sbarrier.arrive $0xFFFF  }
0x99: {  	p0 =	sne.s32 s2, $0x0;
	_ =	strace $0x9000004A  }
0x9a: {  	s0 =	sadd.s32 @!p0 $0x100000, s0;
	[bflag:$0x2] =	sbarrier.arrive $0xFFFF  }
0x9b: {  	[sflag:s0] =	ssyncadd.tile.s32 @!p0 $0x1;
	_ =	shalt  }
.Lfunc_end2:
_tile_overlayer_lowered:
.L_overlay_start_2:
0x9c: {  	(tag) =	ssettag $0x2  }
0x9d: {  	s0 =	rddreg [dreg:$0x0];
	s2 =	stileid.u32  }
0x9e: {  	s1 =	rddreg [dreg:$0x1];
	p0 =	sne.s32 s2, $0x0  }
0x9f: {  	s3 =	rddreg [dreg:$0x2];
	[bflag:$0x3] =	sbarrier.arrive $0xFFFF;
	s2 =	simm.s32 @!p0 $0x1C02  }
0xa0: {  	[timem:s3], [sflag:s2] =	dma.local @!p0 [hbm:s0], s1  }
0xa1: {  	s0 =	simm.s32 @!p0 $0x2  }
0xa2: {  	_ =	swait.ge @!p0 [sflag:s0], s1  }
0xa3: {  	s1 =	ssub.s32 @!p0 $0x0, s1;
	[sflag:s0] =	ssyncset.done @!p0 $0x0  }
0xa4: {  	[sflag:s0] =	ssyncadd.s32 @!p0 s1  }
0xa5: {  	[bflag:$0x3] =	sbarrier.arrive $0xFFFF  }
0xa6: {  	_ =	shalt  }

// kernel: kernel.8.cloned.1.call-start
scs
__scs_entry_jumppad:
0x0: {  	(pc) =	sbr.rel $0x88, $3  }
0x1: {  	(tag) =	ssettag $0x0;
	lr =	simm.s32 $0x1  }
0x2: {  	[smem:$0x3F97] =	sst lr;
	_ =	strace $0xD0000000  }
0x3: {  	_ = 	snop  }
0x4: {  	_ = 	snop  }
0x5: {  	_ = 	snop  }
0x6: {  	_ = 	snop  }
0x7: {  	_ = 	snop  }
__scs_overlays_trampoline_lowered:
0x8: {  	[smem:$0x3FA6] =	sst s0  }
0x9: {  	[smem:$0x3FA7] =	sst s1  }
0xa: {  	[smem:$0x3FA8] =	sst s2  }
0xb: {  	[smem:$0x3FA9] =	sst s3  }
0xc: {  	[smem:$0x3FAA] =	sst s4  }
0xd: {  	[smem:$0x3FAB] =	sst s5  }
0xe: {  	[smem:$0x3FAC] =	sst s6  }
0xf: {  	[smem:$0x3FAD] =	sst s7  }
0x10: {  	[smem:$0x3FAE] =	sst s8  }
0x11: {  	[smem:$0x3FAF] =	sst s9;
	s0 =	simm.s32 @!p0 $0x0  }
0x12: {  	s1 =	sld [smem:$0x3F95];
	s0 =	simm.s32 @p0 $0x1  }
0x13: {  	[smem:$0x3FB0] =	sst s0;
	s0 =	simm.s32 @!p1 $0x0  }
0x14: {  	s2 =	sld [smem:$0x3F94];
	s0 =	simm.s32 @p1 $0x1  }
0x15: {  	[smem:$0x3FB1] =	sst s0;
	s0 =	simm.s32 @!p2 $0x0  }
0x16: {  	s3 =	sld [smem:$0x3FDB];
	s0 =	simm.s32 @p2 $0x1  }
0x17: {  	s4 =	simm.s32 $0x1BF5;
	[smem:$0x3FB3] =	sst s0  }
0x18: {  	s0 =	sld [smem:$0x3F96];
	_ =	swait.ge [sflag:s4], $0x0  }
0x19: {  	s7 =	sld [smem:$0x3F97]  }
0x1a: {  	s8 =	sadd.s32 $0xFFFFE003, lr  }
0x1b: {  	s9 =	sadd.s32 $0xFFFFFEF7, lr;
	s5 =	simm.s32 $0xFFFFFFFF;
	p2 =	slt.u32 s8, $0xFFFFF086  }
0x1c: {  	p1 =	slt.u32 s9, $0xF7A;
	s5 =	simm.s32 @!p2 $0x0  }
0x1d: {  	s5 =	simm.s32 @p1 $0x1;
	p0 =	seq.s32 s7, s2  }
0x1e: {  	s7 =	smul.u32 @!p0 $0xF7A, s2;
	p2 =	seq.s32 @!p0 s5, $0x0  }
0x1f: {  	s9 =	smul.u32 $0xF7A, s1;
	s8 =	simm.s32 @!p0 $0x1BF5;
	p2 =	por !p2, p0  }
0x20: {  	[sflag:s8] =	ssyncset.s32 @!p0 $0xFFFFF086;
	s6 =	sadd.s32 @!p0 s3, s7;
	s7 =	simm.s32 @!p0 $0x108  }
0x21: {  	s3 =	sadd.s32 s3, s9;
	s6 =	sadd.s32 @!p0 $0x88, s6;
	s7 =	simm.s32 @p2 $0x1082  }
0x22: {  	[simem:s7], [sflag:s8] =	dma.local @!p0 [hbm:s6], $0xF7A  }
0x23: {  	s9 =	sor.u32 $0xD0000000, s2;
	s6 =	simm.s32 $0x108;
	_ =	swait.ge @!p0 [sflag:s8], $0x0  }
0x24: {  	s3 =	sadd.s32 $0x88, s3;
	s6 =	simm.s32 @!p1 $0x1082;
	[sflag:s4] =	ssyncset.s32 $0xFFFFF086  }
0x25: {  	[simem:s6], [sflag:s4] =	dma.local [hbm:s3], $0xF7A  }
0x26: {  	[smem:$0x3F97] =	sst s1;
	(tag) =	ssettag s2;
	_ =	strace s9  }
0x27: {  	s1 =	sld [smem:$0x3FA7]  }
0x28: {  	s2 =	sld [smem:$0x3FA8]  }
0x29: {  	s4 =	sld [smem:$0x3FAA]  }
0x2a: {  	p0 =	seq.s32 s5, $0x0;
	s5 =	sld [smem:$0x3FAB]  }
0x2b: {  	s6 =	sld [smem:$0x3FAC]  }
0x2c: {  	s7 =	sld [smem:$0x3FAD]  }
0x2d: {  	s3 =	simm.s32 $0x108;
	s8 =	sld [smem:$0x3FAE]  }
0x2e: {  	s3 =	simm.s32 @!p0 $0x1082;
	s9 =	sld [smem:$0x3FAF]  }
0x2f: {  	lr =	sadd.s32 s0, s3;
	s0 =	sld [smem:$0x3FA6]  }
0x30: {  	s3 =	sld [smem:$0x3FA9]  }
0x31: {  	[smem:$0x3FB2] =	sst s10  }
0x32: {  	s10 =	sld [smem:$0x3FB0];
	_ =	sdelay $0x3  }
0x33: {  	p0 =	seq.s32 s10, $0x1;
	s10 =	sld [smem:$0x3FB2];
	_ =	sdelay $0x3  }
0x34: {  	[smem:$0x3FB2] =	sst s10  }
0x35: {  	s10 =	sld [smem:$0x3FB1];
	_ =	sdelay $0x3  }
0x36: {  	p1 =	seq.s32 s10, $0x1;
	s10 =	sld [smem:$0x3FB2];
	_ =	sdelay $0x3  }
0x37: {  	[smem:$0x3FB2] =	sst s10  }
0x38: {  	s10 =	sld [smem:$0x3FB3]  }
0x39: {  	_ = 	snop;
	(pc) =	sbr.ind lr, $3  }
0x3a: {  	_ = 	snop  }
0x3b: {  	_ = 	snop  }
0x3c: {  	p2 =	seq.s32 s10, $0x1;
	s10 =	sld [smem:$0x3FB2]  }
0x3d: {  	_ =	shalt  }
0x3e: {  	_ =	shalt  }
0x3f: {  	_ =	shalt  }
0x40: {  	_ =	shalt  }
0x41: {  	_ =	shalt  }
0x42: {  	_ =	shalt  }
0x43: {  	_ =	shalt  }
0x44: {  	_ =	shalt  }
0x45: {  	_ =	shalt  }
0x46: {  	_ =	shalt  }
0x47: {  	_ =	shalt  }
0x48: {  	_ =	shalt  }
0x49: {  	_ =	shalt  }
0x4a: {  	_ =	shalt  }
0x4b: {  	_ =	shalt  }
0x4c: {  	_ =	shalt  }
0x4d: {  	_ =	shalt  }
0x4e: {  	_ =	shalt  }
0x4f: {  	_ =	shalt  }
0x50: {  	_ =	shalt  }
0x51: {  	_ =	shalt  }
0x52: {  	_ =	shalt  }
0x53: {  	_ =	shalt  }
0x54: {  	_ =	shalt  }
0x55: {  	_ =	shalt  }
0x56: {  	_ =	shalt  }
0x57: {  	_ =	shalt  }
0x58: {  	_ =	shalt  }
0x59: {  	_ =	shalt  }
0x5a: {  	_ =	shalt  }
0x5b: {  	_ =	shalt  }
0x5c: {  	_ =	shalt  }
0x5d: {  	_ =	shalt  }
0x5e: {  	_ =	shalt  }
0x5f: {  	_ =	shalt  }
0x60: {  	_ =	shalt  }
0x61: {  	_ =	shalt  }
0x62: {  	_ =	shalt  }
0x63: {  	_ =	shalt  }
0x64: {  	_ =	shalt  }
0x65: {  	_ =	shalt  }
0x66: {  	_ =	shalt  }
0x67: {  	_ =	shalt  }
0x68: {  	_ =	shalt  }
0x69: {  	_ =	shalt  }
0x6a: {  	_ =	shalt  }
0x6b: {  	_ =	shalt  }
0x6c: {  	_ =	shalt  }
0x6d: {  	_ =	shalt  }
0x6e: {  	_ =	shalt  }
0x6f: {  	_ =	shalt  }
0x70: {  	_ =	shalt  }
0x71: {  	_ =	shalt  }
0x72: {  	_ =	shalt  }
0x73: {  	_ =	shalt  }
0x74: {  	_ =	shalt  }
0x75: {  	_ =	shalt  }
0x76: {  	_ =	shalt  }
0x77: {  	_ =	shalt  }
0x78: {  	_ =	shalt  }
0x79: {  	_ =	shalt  }
0x7a: {  	_ =	shalt  }
0x7b: {  	_ =	shalt  }
0x7c: {  	_ =	shalt  }
0x7d: {  	_ =	shalt  }
0x7e: {  	_ =	shalt  }
0x7f: {  	_ =	shalt  }
0x80: {  	_ =	shalt  }
0x81: {  	_ =	shalt  }
0x82: {  	_ =	shalt  }
0x83: {  	_ =	shalt  }
0x84: {  	_ =	shalt  }
0x85: {  	_ =	shalt  }
0x86: {  	_ =	shalt  }
0x87: {  	_ =	shalt  }
.Lfunc_end0:
.L_simem_size_0:
called_computation_lowered:
.L_overlay_start_0:
0x88: {  	s2 =	sld [smem:$0x3FD9]  }
0x89: {  	s3 =	sld [smem:$0x3FFE];
	_ =	sdelay $0x1  }
0x8a: {  	s1 =	srdreg.scid  }
0x8b: {  	s0 =	sand.u32 $0x1, s1  }
0x8c: {  	s17 =	sshll.u32 s0, $0xA;
	s2 =	sadd.s32 s3, s2  }
0x8d: {  	s2 =	sadd.s32 s2, s17  }
0x8e: {  	[smem:$0x3FBE] =	sst s2  }
0x8f: {  	_ = 	snop  }
0x90: {  	s2 =	sld [smem:$0x3FD0];
	(tm) =	ssettm $0x1  }
0x91: {  	s18 =	sld [smem:$0x3FFB];
	_ =	sdelay $0x3  }
0x92: {  	_ =	strace s18  }
0x93: {  	s3 =	sld [smem:$0x3FFC];
	_ =	sdelay $0x3  }
0x94: {  	_ =	strace s3  }
0x95: {  	s3 =	sld [smem:$0x3FFD];
	_ =	sdelay $0x3  }
0x96: {  	_ =	strace s3  }
0x97: {  	_ =	strace $0x8FFFFFFF  }
0x98: {  	s19 =	sld [smem:$0x3FDB];
	_ =	sdelay $0x1  }
0x99: {  	s4 =	simm.s32 $_scs_section_size  }
0x9a: {  	s5 =	simm.s32 $_size__tile_overlayer_lowered;
	s6 =	simm.s32 $_tile_overlayer_lowered  }
0x9b: {  	s22 =	simm.s32 $0x1BFF;
	s21 =	sshll.u32 s6, $0x1;
	s3 =	sadd.s32 s4, s19  }
0x9c: {  	s7 =	simm.s32 $0x0;
	s20 =	sshll.u32 s5, $0x1;
	s5 =	sadd.s32 s21, s3  }
0x9d: {  	[timem:s7], [sflag:s22] =	dma.local [hbm:s5], s20  }
0x9e: {  	_ =	swait.ge [sflag:s22], s20  }
0x9f: {  	s4 =	ssub.s32 $0x0, s20;
	[sflag:s22] =	ssyncset.done $0x0  }
0xa0: {  	[sflag:s22] =	ssyncadd.s32 s4;
	_ =	sdelay $0x1  }
0xa1: {  	s23 =	simm.s32 $0x1B8B  }
0xa2: {  	_ =	swait.ge [sflag:s23], $0x1  }
0xa3: {  	[sflag:s23] =	ssyncset.done $0x0  }
0xa4: {  	s25 =	simm.s32 $0x1B8E;
	s24 =	sld [smem:$0x3FFE];
	[sflag:s23] =	ssyncadd.s32 $0xFFFFFFFF  }
0xa5: {  	s26 =	simm.s32 $execute0_lowered;
	[smem:$0x3FD2] =	sst s25  }
0xa6: {  	s5 =	sshll.u32 s26, $0x1;
	_ =	strace $0x80000046;
	[dreg:$0x1] =	wrdreg $0xFFFFFFFF  }
0xa7: {  	s28 =	simm.s32 $_size_execute0_lowered;
	s3 =	sadd.s32 s3, s5;
	[dreg:$0x0] =	wrdreg $0x0  }
0xa8: {  	s5 =	sshll.u32 s28, $0x1;
	[dreg:$0x2] =	wrdreg s3  }
0xa9: {  	[dreg:$0x3] =	wrdreg s5  }
0xaa: {  	[dreg:$0x4] =	wrdreg $0xC0  }
0xab: {  	_ =	task [dreg:s7], $0x5FFFF  }
0xac: {  	[dreg:$0x1] =	wrdreg $0xFFFFFFFF  }
0xad: {  	[dreg:$0x0] =	wrdreg $0x60  }
0xae: {  	[dreg:$0x2] =	wrdreg s2  }
0xaf: {  	[dreg:$0x3] =	wrdreg s24  }
0xb0: {  	[dreg:$0x4] =	wrdreg $0x59F00  }
0xb1: {  	[dreg:$0x5] =	wrdreg $0x9  }
0xb2: {  	_ =	task.clear_ibuf [dreg:s7], $0x6FFFF;
	_ =	strace $0x90000046  }
0xb3: {  	s29 =	simm.s32 $0x9;
	_ =	strace $0x80000048  }
0xb4: {  	_ =	swait.ge [sflag:s29], $0x1  }
0xb5: {  	[sflag:s29] =	ssyncadd.s32 $0xFFFFFFFF  }
0xb6: {  	_ =	strace $0x90000048  }
0xb7: {  	_ =	sfence  }
0xb8: {  	s30 =	sld [smem:$0x0];
	_ =	sdelay $0x2  }
0xb9: {  	s31 =	sshll.u32 s1, $0xD;
	s1 =	sshrl.u32 s1, $0x2  }
0xba: {  	s3 =	sand.u32 $0x4000, s31;
	s1 =	sadd.s32 s1, s30  }
0xbb: {  	s0 =	sor.u32 s3, s0;
	s1 =	sshll.u32 s1, $0x11  }
0xbc: {  	s0 =	sor.u32 s1, s0  }
0xbd: {  	s0 =	sadd.s32 $0x8F2B, s0  }
0xbe: {  	[sflag:s0] =	ssyncadd.remote.s32 $0x1  }
0xbf: {  	_ =	sfence.sel $0xFFFF  }
0xc0: {  	[dreg:$0x0] =	wrdreg $0xFFFFFFFF;
	(pc) =	sbr.abs _section_cstart, $3  }
0xc1: {  	[dreg:$0x1] =	wrdreg $0xFFFFFFFF  }
0xc2: {  	_ =	task.clear_ibuf [dreg:s7], $0x2FFFF;
	_ =	strace $0x9FFFFFFF  }
0xc3: {  	(tm) =	ssettm $0x7FFFFFFF  }
tec
execute0_lowered:
.L_overlay_start_1:
0x0: {  	(tag) =	ssettag $0x1  }
0x1: {  	s1 =	rddreg [dreg:$0x0]  }
0x2: {  	s3 =	rddreg [dreg:$0x1]  }
0x3: {  	s4 =	rddreg [dreg:$0x2]  }
0x4: {  	s0 =	rddreg [dreg:$0x3]  }
0x5: {  	s6 =	srdreg.scid;
	s2 =	stileid.u32;
	s5 =	simm.s32 $0x0  }
0x6: {  	s16 =	simm.s32 $0x2780;
	s17 =	simm.s32 $0x4F00;
	s18 =	simm.s32 $0x4F50  }
0x7: {  	s19 =	simm.s32 $0x50;
	s20 =	simm.s32 $0x4FA0;
	s21 =	simm.s32 $0x1  }
0x8: {  	s22 =	simm.s32 $0x59A0;
	s23 =	simm.s32 $0x0;
	s9 =	sand.u32 $0x1, s6  }
0x9: {  	s10 =	smul.u32 $0x5000, s2;
	[smem:$0x7FF] =	sst s5;
	s6 =	sadd.s32 $0x14200, s3  }
0xa: {  	s7 =	sadd.s32 $0x13C00, s3;
	s31 =	sshll.u32 s2, $0x6;
	s8 =	smul.u32 $0x50000, s9  }
0xb: {  	_ =	strace $0x80000047;
	s12 =	ssub.s32 $0x2, s9;
	s9 =	sshll.u32 s9, $0x4  }
0xc: {  	s13 =	sshrl.u32 s12, $0x1;
	s15 =	sadd.s32 s10, s4;
	s11 =	sadd.s32 s10, s8  }
0xd: {  	s30 =	sor.u32 s2, s9;
	s8 =	sadd.s32 $0x9E00, s3;
	s11 =	sshrl.u32 s11, $0x3  }
0xe: {  	s13 =	ssub.s32 s12, s13;
	s10 =	sor.u32 $0x1C02, s31;
	s14 =	sadd.s32 s11, s3  }
0xf: {  	s13 =	smax.u32 s13, $0x1;
	s11 =	smul.u32 $0x2710, s30;
	s9 =	sadd.s32 $0x50200, s14  }
0x10: {  	s12 =	sadd.s32 $0x14800, s14;
	s14 =	sshrl.u32 s15, $0x3;
	s15 =	simm.s32 $0x2  }
.LBB2_1:
0x11: {  	[spmem:s14], [sflag:s10] =	dma.local [hbm:s9], $0xA00  }
0x12: {  	_ =	swait.ge [sflag:s15], $0xA00  }
0x13: {  	[sflag:s15] =	ssyncset.done $0x0  }
0x14: {  	[sflag:s15] =	ssyncadd.s32 $0xFFFFF600  }
0x15: {  	[tilespmem:s5], [sflag:$0x2] =	stream.linear.gather [hbm4b:s6+s5], $0x2780, $0x38;
	[tilespmem:$0xA9F0] =	vst v63  }
0x16: {  	_ =	swait.ge [sflag:s15], $0x2780  }
0x17: {  	[sflag:s15] =	ssyncset.done $0x0  }
0x18: {  	[sflag:s15] =	ssyncadd.s32 $0xFFFFD880  }
0x19: {  	[tilespmem:s16], [sflag:$0x2] =	stream.linear.gather [hbm4b:s7+s5], $0x2780, $0x38;
	[tilespmem:$0xA9F0] =	vst v63  }
0x1a: {  	_ =	swait.ge [sflag:s15], $0x2780  }
0x1b: {  	[sflag:s15] =	ssyncset.done $0x0  }
0x1c: {  	[sflag:s15] =	ssyncadd.s32 $0xFFFFD880  }
0x1d: {  	s24 =	simm.s32 $0x0;
	[bflag:$0x0] =	sbarrier.arrive $0xFFFF  }
.LBB2_2:
0x1e: {  	s25 =	smul.u32 $0x50, s24;
	_ =	sdelay $0x1  }
0x1f: {  	s25 =	sadd.s32 s11, s25  }
0x20: {  	s26 =	sshrl.u32 s25, $0x3  }
0x21: {  	s30 =	simm.s32 $0x0;
	s28 =	sadd.s32 s8, s26  }
0x22: {  	[tilespmem:s17], [sflag:$0x2] =	stream.linear.gather [hbm4b:s28+s30], $0x50, $0x38;
	[tilespmem:$0xA9F0] =	vst v63  }
0x23: {  	_ =	swait.ge [sflag:s15], $0x50  }
0x24: {  	[sflag:s15] =	ssyncset.done $0x0  }
0x25: {  	s26 =	sadd.s32 s3, s26;
	[sflag:s15] =	ssyncadd.s32 $0xFFFFFFB0  }
0x26: {  	[tilespmem:s18], [sflag:$0x2] =	stream.linear.gather [hbm4b:s26+s30], $0x50, $0x38;
	[tilespmem:$0xA9F0] =	vst v63  }
0x27: {  	_ =	swait.ge [sflag:s15], $0x50  }
0x28: {  	[sflag:s15] =	ssyncset.done $0x0  }
0x29: {  	[sflag:s15] =	ssyncadd.s32 $0xFFFFFFB0  }
0x2a: {  	[tilespmem:s20], [sflag:$0x1] =	stream.indirect.gather [hbm4b:s1+s19], $0x20, s17, s19, $0xb8;
	[tilespmem:$0xA9F0] =	vst v63  }
0x2b: {  	_ =	swait.ge [sflag:s21], $0xA00  }
0x2c: {  	[sflag:s21] =	ssyncset.done $0x0  }
0x2d: {  	[sflag:s21] =	ssyncadd.s32 $0xFFFFF600  }
0x2e: {  	v0 =	vld [tilespmem:$0x4F00]  }
0x2f: {  	v1 =	vld [tilespmem:$0x4F50];
	_ =	sdelay $0x5  }
0x30: {  	v2 =	vld [tilespmem:$0x2710]  }
0x31: {  	v0 =	vld.idx.msk [tilespmem:v0+s30+$0x0], $0xffff  }
0x32: {  	v1 =	vld.idx.msk [tilespmem:v1+s16+$0x0], $0xffff;
	_ =	sdelay $0x4  }
0x33: {  	v0 =	vadd.f32 v1, v0;
	v1 =	vadd.f32 v1, v2;
	_ =	sdelay $0x1  }
0x34: {  	v3 =	vmul.f32 $2.000000030e-01, v0;
	v4 =	vmul.f32 $2.000000030e-01, v1  }
0x35: {  	vm0 =	vgt.f32 v0, $0.0e+00;
	vm1 =	vgt.f32 v1, $0.0e+00  }
0x36: {  	v0 =	vsel vm0, v0, v3;
	v1 =	vsel vm1, v1, v4  }
0x37: {  	v0 =	vsub.f32 v0, v1;
	_ =	sdelay $0x1  }
0x38: {  	v0 =	vmul.f32 $1.442695020e+00, v0;
	_ =	sdelay $0x1  }
0x39: {  	(erf) = vpow2.f32 v0;
	_ =	sdelay $0x2  }
0x3a: {  	v0 =	vld [tilespmem:$0x4F10]  }
0x3b: {  	v1 =	vld [tilespmem:$0x4F60];
	_ =	sdelay $0x4  }
0x3c: {  	v3 =	vpop (erf)  }
0x3d: {  	[tilespmem:$0x59A0] =	vst v3  }
0x3e: {  	v0 =	vld.idx.msk [tilespmem:v0+s30+$0x0], $0xffff  }
0x3f: {  	v1 =	vld.idx.msk [tilespmem:v1+s16+$0x0], $0xffff;
	_ =	sdelay $0x4  }
0x40: {  	v0 =	vadd.f32 v1, v0;
	v1 =	vadd.f32 v1, v2;
	_ =	sdelay $0x1  }
0x41: {  	v3 =	vmul.f32 $2.000000030e-01, v0;
	v4 =	vmul.f32 $2.000000030e-01, v1  }
0x42: {  	vm8 =	vgt.f32 v0, $0.0e+00;
	vm9 =	vgt.f32 v1, $0.0e+00  }
0x43: {  	v0 =	vsel vm8, v0, v3;
	v1 =	vsel vm9, v1, v4  }
0x44: {  	v0 =	vsub.f32 v0, v1;
	_ =	sdelay $0x1  }
0x45: {  	v0 =	vmul.f32 $1.442695020e+00, v0;
	_ =	sdelay $0x1  }
0x46: {  	(erf) = vpow2.f32 v0;
	_ =	sdelay $0x2  }
0x47: {  	v0 =	vld [tilespmem:$0x4F20]  }
0x48: {  	v1 =	vld [tilespmem:$0x4F70];
	_ =	sdelay $0x4  }
0x49: {  	v3 =	vpop (erf)  }
0x4a: {  	[tilespmem:$0x59B0] =	vst v3  }
0x4b: {  	v0 =	vld.idx.msk [tilespmem:v0+s30+$0x0], $0xffff  }
0x4c: {  	v1 =	vld.idx.msk [tilespmem:v1+s16+$0x0], $0xffff;
	_ =	sdelay $0x4  }
0x4d: {  	v0 =	vadd.f32 v1, v0;
	v1 =	vadd.f32 v1, v2;
	_ =	sdelay $0x1  }
0x4e: {  	v3 =	vmul.f32 $2.000000030e-01, v0;
	v4 =	vmul.f32 $2.000000030e-01, v1  }
0x4f: {  	vm10 =	vgt.f32 v0, $0.0e+00;
	vm11 =	vgt.f32 v1, $0.0e+00  }
0x50: {  	v0 =	vsel vm10, v0, v3;
	v1 =	vsel vm11, v1, v4  }
0x51: {  	v0 =	vsub.f32 v0, v1;
	_ =	sdelay $0x1  }
0x52: {  	v0 =	vmul.f32 $1.442695020e+00, v0;
	_ =	sdelay $0x1  }
0x53: {  	(erf) = vpow2.f32 v0;
	_ =	sdelay $0x2  }
0x54: {  	v0 =	vld [tilespmem:$0x4F30]  }
0x55: {  	v1 =	vld [tilespmem:$0x4F80];
	_ =	sdelay $0x4  }
0x56: {  	v3 =	vpop (erf)  }
0x57: {  	[tilespmem:$0x59C0] =	vst v3  }
0x58: {  	v0 =	vld.idx.msk [tilespmem:v0+s30+$0x0], $0xffff  }
0x59: {  	v1 =	vld.idx.msk [tilespmem:v1+s16+$0x0], $0xffff;
	_ =	sdelay $0x4  }
0x5a: {  	v0 =	vadd.f32 v1, v0;
	v1 =	vadd.f32 v1, v2;
	_ =	sdelay $0x1  }
0x5b: {  	v3 =	vmul.f32 $2.000000030e-01, v0;
	v4 =	vmul.f32 $2.000000030e-01, v1  }
0x5c: {  	vm12 =	vgt.f32 v0, $0.0e+00;
	vm13 =	vgt.f32 v1, $0.0e+00  }
0x5d: {  	v0 =	vsel vm12, v0, v3;
	v1 =	vsel vm13, v1, v4  }
0x5e: {  	v0 =	vsub.f32 v0, v1;
	_ =	sdelay $0x1  }
0x5f: {  	v0 =	vmul.f32 $1.442695020e+00, v0;
	_ =	sdelay $0x1  }
0x60: {  	(erf) = vpow2.f32 v0;
	_ =	sdelay $0x2  }
0x61: {  	v0 =	vld [tilespmem:$0x4F40]  }
0x62: {  	v1 =	vld [tilespmem:$0x4F90];
	_ =	sdelay $0x4  }
0x63: {  	v3 =	vpop (erf)  }
0x64: {  	[tilespmem:$0x59D0] =	vst v3  }
0x65: {  	v0 =	vld.idx.msk [tilespmem:v0+s30+$0x0], $0xffff  }
0x66: {  	v1 =	vld.idx.msk [tilespmem:v1+s16+$0x0], $0xffff;
	_ =	sdelay $0x4  }
0x67: {  	v0 =	vadd.f32 v1, v0;
	v1 =	vadd.f32 v1, v2;
	_ =	sdelay $0x1  }
0x68: {  	v2 =	vmul.f32 $2.000000030e-01, v0;
	v3 =	vmul.f32 $2.000000030e-01, v1  }
0x69: {  	vm14 =	vgt.f32 v0, $0.0e+00;
	vm15 =	vgt.f32 v1, $0.0e+00  }
0x6a: {  	v0 =	vsel vm14, v0, v2;
	v1 =	vsel vm15, v1, v3  }
0x6b: {  	v0 =	vsub.f32 v0, v1;
	_ =	sdelay $0x1  }
0x6c: {  	v0 =	vmul.f32 $1.442695020e+00, v0;
	_ =	sdelay $0x1  }
0x6d: {  	(erf) = vpow2.f32 v0;
	_ =	sdelay $0x6  }
0x6e: {  	v0 =	vmov s30;
	_ =	sdelay $0x1  }
0x6f: {  	v1 =	vpop (erf)  }
0x70: {  	s25 =	simm.s32 $0x4FB0;
	[tilespmem:$0x59E0] =	vst v1  }
0x71: {  	v1 =	vld [tilespmem:s25+$0xFFFFFFF0]  }
0x72: {  	v2 =	vld.idx.msk [tilespmem:v0+s22+$0x0], $0xffff  }
0x73: {  	v3 =	vld [tilespmem:s25+$0x0];
	_ =	sdelay $0x2  }
0x74: {  	s31 =	simm.s32 $0x1  }
0x75: {  	s28 =	simm.s32 $0x2;
	s26 =	simm.s32 $0x4FB0;
	v0 =	vmov s31  }
.LBB2_3:
0x76: {  	p0 =	sne.s32 s28, $0x4F;
	v1 =	vmul.f32 v1, v2;
	v2 =	vmul.f32 v3, v2;
	_ =	sdelay $0x1  }
0x77: {  	s26 =	sadd.s32 $0x20, s26;
	[tilespmem:s25+$0xFFFFFFF0] =	vst v1  }
0x78: {  	v1 =	vld [tilespmem:s26+$0xFFFFFFF0];
	[tilespmem:s25+$0x0] =	vst v2;
	s25 =	smov.u32 s26  }
0x79: {  	v2 =	vld.idx.msk [tilespmem:v0+s22+$0x0], $0xffff  }
.Ltmp0:
0x7a: {  	v3 =	vld [tilespmem:s26+$0x0];
	(pc) =	sbr.rel @p0 .LBB2_3-.Ltmp0, $2  }
0x7b: {  	_ =	sdelay $0x2  }
0x7c: {  	v0 =	vmov s28;
	s28 =	sadd.s32 $0x1, s28  }
0x7d: {  	v1 =	vmul.f32 v1, v2  }
0x7e: {  	v63 =	vmul.f32 v3, v2  }
0x7f: {  	s26 =	sadd.s32 $0x20, s26;
	[tilespmem:s25+$0xFFFFFFF0] =	vst v1  }
0x80: {  	v1 =	vld [tilespmem:s26+$0xFFFFFFF0];
	[tilespmem:s25+$0x0] =	vst v63  }
0x81: {  	v0 =	vld.idx.msk [tilespmem:v0+s22+$0x0], $0xffff  }
0x82: {  	v2 =	vld [tilespmem:s26+$0x0];
	_ =	sdelay $0x3  }
0x83: {  	v1 =	vmul.f32 v1, v0  }
0x84: {  	s24 =	sadd.s32 $0x1, s24;
	v0 =	vmul.f32 v2, v0  }
0x85: {  	p0 =	sne.s32 s24, $0x7D;
	[tilespmem:s26+$0xFFFFFFF0] =	vst v1  }
.Ltmp1:
0x86: {  	[tilespmem:s26+$0x0] =	vst v0;
	(pc) =	sbr.rel @p0 .LBB2_2-.Ltmp1, $4  }
0x87: {  	[spmem:s4] =	stream.indirect.scatter.add.f32 [tilespmem:s20], [sflag:$0x2], $0x20, s18, s19, $0xb8;
	[tilespmem:$0xA9F0] =	vst v63  }
0x88: {  	_ =	swait.ge [sflag:s15], $0xA00  }
0x89: {  	[sflag:s15] =	ssyncset.done $0x0  }
0x8a: {  	[sflag:s15] =	ssyncadd.s32 $0xFFFFF600  }
0x8b: {  	s23 =	sadd.s32 $0x1, s23  }
0x8c: {  	p0 =	sne.s32 s23, s13  }
.Ltmp2:
0x8d: {  	[bflag:$0x0] =	sbarrier.arrive $0xFFFF;
	(pc) =	sbr.rel @p0 .LBB2_1-.Ltmp2, $4  }
0x8e: {  	[hbm:s12], [sflag:s10] =	dma.local [spmem:s14], $0xA00  }
0x8f: {  	_ =	swait.ge [sflag:s15], $0xA00  }
0x90: {  	[sflag:s15] =	ssyncset.done $0x0  }
0x91: {  	[sflag:s15] =	ssyncadd.s32 $0xFFFFF600  }
0x92: {  	_ =	sfence.sel $0x180000  }
0x93: {  	[bflag:$0x0] =	sbarrier.arrive $0xFFFF  }
0x94: {  	p0 =	sne.s32 s2, $0x0;
	_ =	strace $0x90000047  }
0x95: {  	s0 =	sadd.s32 @!p0 $0x100000, s0;
	[bflag:$0x2] =	sbarrier.arrive $0xFFFF  }
0x96: {  	[sflag:s0] =	ssyncadd.tile.s32 @!p0 $0x1;
	_ =	shalt  }
.Lfunc_end2:
_tile_overlayer_lowered:
.L_overlay_start_2:
0x97: {  	(tag) =	ssettag $0x2  }
0x98: {  	s0 =	rddreg [dreg:$0x0];
	s2 =	stileid.u32  }
0x99: {  	s1 =	rddreg [dreg:$0x1];
	p0 =	sne.s32 s2, $0x0  }
0x9a: {  	s3 =	rddreg [dreg:$0x2];
	[bflag:$0x3] =	sbarrier.arrive $0xFFFF;
	s2 =	simm.s32 @!p0 $0x1C02  }
0x9b: {  	[timem:s3], [sflag:s2] =	dma.local @!p0 [hbm:s0], s1  }
0x9c: {  	s0 =	simm.s32 @!p0 $0x2  }
0x9d: {  	_ =	swait.ge @!p0 [sflag:s0], s1  }
0x9e: {  	s1 =	ssub.s32 @!p0 $0x0, s1;
	[sflag:s0] =	ssyncset.done @!p0 $0x0  }
0x9f: {  	[sflag:s0] =	ssyncadd.s32 @!p0 s1  }
0xa0: {  	[bflag:$0x3] =	sbarrier.arrive $0xFFFF  }
0xa1: {  	_ =	shalt  }

</sc_bundles>
